<compile_context>
chip_gen: v7x
topology: tpu7x:2x2x1
jax: 0.10.2.dev20260603
libtpu: 0.0.44.dev20260713+nightly
codegen_flags: <defaults>
</compile_context>

<pallas_src>
import functools

import jax
import jax.numpy as jnp
from jax import lax
from jax.experimental import pallas as pl
from jax.experimental.pallas import tpu as pltpu
from jax.experimental.pallas import tpu_sc as plsc

B, S, D = 1, 2048, 1024
H, KVH = 16, 4
HD = D // H
G = H // KVH
E = 64
HID = 684
EPS = 1e-6
AUXC = 0.01

TS = 256
NTS = S // TS
TM = 128
MPAD = S + E * TM
NTG = MPAD // TM
NW = 32
TOKW = S // NW

_F32 = jnp.float32
_BF16 = jnp.bfloat16
_I32 = jnp.int32


def _qkv_body(x_ref, g1_ref, wq_ref, wk_ref, wv_ref, fq_ref, fk_ref,
              q_ref, k_ref, v_ref):
    xb = x_ref[...]
    rs = lax.rsqrt(jnp.mean(xb * xb, axis=-1, keepdims=True) + EPS)
    xn = (xb * rs * g1_ref[...]).astype(_BF16)
    dn = (((1,), (1,)), ((), ()))
    wqb = wq_ref[...].astype(_BF16)
    wkb = wk_ref[...].astype(_BF16)
    wvb = wv_ref[...].astype(_BF16)
    q = lax.dot_general(xn, wqb, dn, preferred_element_type=_F32)
    k = lax.dot_general(xn, wkb, dn, preferred_element_type=_F32)
    v = lax.dot_general(xn, wvb, dn, preferred_element_type=_F32)
    q_ref[...] = (q * fq_ref[...]).astype(_BF16)
    k_ref[...] = (k * fk_ref[...]).astype(_BF16)
    v_ref[...] = v.astype(_BF16)


def _qkv(x2, g1, wq, wk, wv, fq, fk):
    kd = KVH * HD
    return pl.pallas_call(
        _qkv_body,
        grid=(NTS,),
        in_specs=[
            pl.BlockSpec((TS, D), lambda t: (t, 0)),
            pl.BlockSpec((1, D), lambda t: (0, 0)),
            pl.BlockSpec((D, D), lambda t: (0, 0)),
            pl.BlockSpec((kd, D), lambda t: (0, 0)),
            pl.BlockSpec((kd, D), lambda t: (0, 0)),
            pl.BlockSpec((TS, D), lambda t: (t, 0)),
            pl.BlockSpec((TS, kd), lambda t: (t, 0)),
        ],
        out_specs=[
            pl.BlockSpec((TS, D), lambda t: (t, 0)),
            pl.BlockSpec((TS, kd), lambda t: (t, 0)),
            pl.BlockSpec((TS, kd), lambda t: (t, 0)),
        ],
        out_shape=[
            jax.ShapeDtypeStruct((S, D), _BF16),
            jax.ShapeDtypeStruct((S, kd), _BF16),
            jax.ShapeDtypeStruct((S, kd), _BF16),
        ],
        compiler_params=pltpu.CompilerParams(
            dimension_semantics=("parallel",)),
    )(x2, g1, wq, wk, wv, fq, fk)


TF = 512
NTF = S // TF


def _flash_body(q_ref, k_ref, v_ref, o_ref):
    qt = pl.program_id(2)
    qb = q_ref[0, 0] * _BF16(1.0 / (HD ** 0.5))
    rowio = lax.broadcasted_iota(_I32, (TF, TF), 0)
    colio = lax.broadcasted_iota(_I32, (TF, TF), 1)

    def body(kt, carry):
        m, l, acc = carry
        kb = k_ref[0, pl.ds(kt * TF, TF), :]
        vb = v_ref[0, pl.ds(kt * TF, TF), :]
        s = lax.dot_general(qb, kb, (((1,), (1,)), ((), ())),
                            preferred_element_type=_F32)
        mask = (qt * TF + rowio) >= (kt * TF + colio)
        s = jnp.where(mask, s, -1e30)
        mnew = jnp.maximum(m, jnp.max(s, axis=-1, keepdims=True))
        p = jnp.exp(s - mnew)
        alpha = jnp.exp(m - mnew)
        l2 = l * alpha + jnp.sum(p, axis=-1, keepdims=True)
        acc2 = acc * alpha + lax.dot_general(
            p.astype(_BF16), vb, (((1,), (0,)), ((), ())),
            preferred_element_type=_F32)
        return mnew, l2, acc2

    m0 = jnp.full((TF, 1), -1e30, _F32)
    l0 = jnp.zeros((TF, 1), _F32)
    a0 = jnp.zeros((TF, HD), _F32)
    m, l, acc = lax.fori_loop(0, qt + 1, body, (m0, l0, a0))
    o_ref[0, 0] = acc / l


def _flash(q4, k4, v4):
    return pl.pallas_call(
        _flash_body,
        grid=(KVH, G, NTF),
        in_specs=[
            pl.BlockSpec((1, 1, TF, HD), lambda kv, g, qt: (kv, g, qt, 0)),
            pl.BlockSpec((1, S, HD), lambda kv, g, qt: (kv, 0, 0)),
            pl.BlockSpec((1, S, HD), lambda kv, g, qt: (kv, 0, 0)),
        ],
        out_specs=pl.BlockSpec((1, 1, TF, HD), lambda kv, g, qt: (kv, g, qt, 0)),
        out_shape=jax.ShapeDtypeStruct((KVH, G, S, HD), _F32),
        compiler_params=pltpu.CompilerParams(
            dimension_semantics=("parallel", "parallel", "parallel")),
    )(q4, k4, v4)


def _proj_router_body(ah_ref, x_ref, wo_ref, g2_ref, wr_ref,
                      sw1_ref, sw2_ref, sw3_ref,
                      hs_ref, xf_ref, topi_ref, toppb_ref, rank_ref,
                      cnt_ref, aux_ref, cnt_acc, ps_acc):
    t = pl.program_id(0)
    dn = (((1,), (1,)), ((), ()))

    @pl.when(t == 0)
    def _init():
        cnt_acc[...] = jnp.zeros_like(cnt_acc)
        ps_acc[...] = jnp.zeros_like(ps_acc)

    ao = lax.dot_general(ah_ref[...].astype(_BF16),
                         wo_ref[...].astype(_BF16), dn,
                         preferred_element_type=_F32)
    h = x_ref[...] + ao
    rs = lax.rsqrt(jnp.mean(h * h, axis=-1, keepdims=True) + EPS)
    xf = h * rs * g2_ref[...]
    xf_ref[...] = xf

    xfb = xf.astype(_BF16)
    h1 = lax.dot_general(xfb, sw1_ref[...].astype(_BF16), dn,
                         preferred_element_type=_F32)
    h3 = lax.dot_general(xfb, sw3_ref[...].astype(_BF16), dn,
                         preferred_element_type=_F32)
    act = (h1 / (1.0 + jnp.exp(-h1))) * h3
    sh = lax.dot_general(act.astype(_BF16), sw2_ref[...].astype(_BF16), dn,
                         preferred_element_type=_F32)
    hs_ref[...] = h + sh

    r = lax.dot_general(xf, wr_ref[...], dn, preferred_element_type=_F32)
    m = jnp.max(r, axis=-1, keepdims=True)
    ex = jnp.exp(r - m)
    se = jnp.sum(ex, axis=-1, keepdims=True)
    probs = ex / se
    ioe = lax.broadcasted_iota(_I32, (TS, E), 1)
    topi = jnp.min(jnp.where(r >= m, ioe, E), axis=-1)
    oh = (ioe == topi[:, None]).astype(_F32)

    lo = (lax.broadcasted_iota(_I32, (TS, TS), 0)
          > lax.broadcasted_iota(_I32, (TS, TS), 1)).astype(_F32)
    cexcl = lax.dot_general(lo, oh, (((1,), (0,)), ((), ())),
                            preferred_element_type=_F32)
    rank = jnp.sum((cexcl + cnt_acc[...]) * oh, axis=-1)

    topi_ref[0, 0, :] = topi.astype(_I32)
    rank_ref[0, 0, :] = rank.astype(_I32)
    toppb_ref[...] = jnp.broadcast_to(1.0 / se, (TS, 128))

    cnt_acc[...] += jnp.sum(oh, axis=0, keepdims=True)
    ps_acc[...] += jnp.sum(probs, axis=0, keepdims=True)

    @pl.when(t == NTS - 1)
    def _fin():
        cnt_ref[...] = cnt_acc[...]
        aux_ref[...] = jnp.sum(cnt_acc[...] * ps_acc[...],
                               axis=-1, keepdims=True) * (AUXC * E / (S * S))


def _proj_router(ah, x2, wo, g2, wr, sw1, sw2, sw3):
    return pl.pallas_call(
        _proj_router_body,
        grid=(NTS,),
        in_specs=[
            pl.BlockSpec((TS, D), lambda t: (t, 0)),
            pl.BlockSpec((TS, D), lambda t: (t, 0)),
            pl.BlockSpec((D, D), lambda t: (0, 0)),
            pl.BlockSpec((1, D), lambda t: (0, 0)),
            pl.BlockSpec((E, D), lambda t: (0, 0)),
            pl.BlockSpec((HID, D), lambda t: (0, 0)),
            pl.BlockSpec((D, HID), lambda t: (0, 0)),
            pl.BlockSpec((HID, D), lambda t: (0, 0)),
        ],
        out_specs=[
            pl.BlockSpec((TS, D), lambda t: (t, 0)),
            pl.BlockSpec((TS, D), lambda t: (t, 0)),
            pl.BlockSpec((1, 1, TS), lambda t: (t, 0, 0)),
            pl.BlockSpec((TS, 128), lambda t: (t, 0)),
            pl.BlockSpec((1, 1, TS), lambda t: (t, 0, 0)),
            pl.BlockSpec((1, E), lambda t: (0, 0)),
            pl.BlockSpec((1, 1), lambda t: (0, 0)),
        ],
        out_shape=[
            jax.ShapeDtypeStruct((S, D), _F32),
            jax.ShapeDtypeStruct((S, D), _F32),
            jax.ShapeDtypeStruct((NTS, 1, TS), _I32),
            jax.ShapeDtypeStruct((S, 128), _F32),
            jax.ShapeDtypeStruct((NTS, 1, TS), _I32),
            jax.ShapeDtypeStruct((1, E), _F32),
            jax.ShapeDtypeStruct((1, 1), _F32),
        ],
        scratch_shapes=[
            pltpu.VMEM((1, E), _F32),
            pltpu.VMEM((1, E), _F32),
        ],
    )(ah, x2, wo, g2, wr, sw1, sw2, sw3)


def _sc_mesh():
    return plsc.VectorSubcoreMesh(core_axis_name="c", subcore_axis_name="s")


def _dispatch(xf, topi, rank, offs):
    @functools.partial(
        pl.kernel,
        mesh=_sc_mesh(),
        out_type=[
            jax.ShapeDtypeStruct((MPAD, D), _F32),
            jax.ShapeDtypeStruct((S,), _I32),
        ],
        scratch_types=[
            pltpu.VMEM((TOKW,), _I32),
            pltpu.VMEM((TOKW,), _I32),
            pltpu.VMEM((E,), _I32),
            pltpu.VMEM((TOKW,), _I32),
            pltpu.VMEM((TOKW, D), _F32),
            pltpu.SemaphoreType.DMA,
        ],
        compiler_params=pltpu.CompilerParams(needs_layout_passes=False),
    )
    def k(xf_h, topi_h, rank_h, offs_h, xs_h, slots_h,
          topi_v, rank_v, offs_v, slots_v, rows_v, sem):
        wid = lax.axis_index("s") * 2 + lax.axis_index("c")
        base = wid * TOKW
        pltpu.sync_copy(topi_h.at[pl.ds(base, TOKW)], topi_v)
        pltpu.sync_copy(rank_h.at[pl.ds(base, TOKW)], rank_v)
        pltpu.sync_copy(offs_h, offs_v)
        for j in range(TOKW // 16):
            sl = pl.ds(j * 16, 16)
            e = topi_v[sl]
            off = plsc.load_gather(offs_v, [e])
            slots_v[sl] = off + rank_v[sl]
        pltpu.sync_copy(slots_v, slots_h.at[pl.ds(base, TOKW)])
        pltpu.sync_copy(xf_h.at[pl.ds(base, TOKW)], rows_v)
        pltpu.async_copy(rows_v, xs_h.at[slots_v], sem).wait()

    return k(xf, topi, rank, offs)


def _gmm_body(eot_ref, xs_ref, w1_ref, w3_ref, w2_ref, ys_ref):
    del eot_ref
    xtb = xs_ref[...].T.astype(_BF16)
    nat = (((1,), (0,)), ((), ()))
    h1t = lax.dot_general(w1_ref[0].astype(_BF16), xtb, nat,
                          preferred_element_type=_F32)
    h3t = lax.dot_general(w3_ref[0].astype(_BF16), xtb, nat,
                          preferred_element_type=_F32)
    actt = (h1t / (1.0 + jnp.exp(-h1t))) * h3t
    yst = lax.dot_general(w2_ref[0].astype(_BF16), actt.astype(_BF16), nat,
                          preferred_element_type=_F32)
    ys_ref[...] = yst.T


def _gmm(eot, xs, W1, W3, W2):
    grid_spec = pltpu.PrefetchScalarGridSpec(
        num_scalar_prefetch=1,
        grid=(NTG,),
        in_specs=[
            pl.BlockSpec((TM, D), lambda t, eot: (t, 0)),
            pl.BlockSpec((1, HID, D), lambda t, eot: (eot[t], 0, 0),
                         pipeline_mode=pl.Buffered(buffer_count=2)),
            pl.BlockSpec((1, HID, D), lambda t, eot: (eot[t], 0, 0),
                         pipeline_mode=pl.Buffered(buffer_count=2)),
            pl.BlockSpec((1, D, HID), lambda t, eot: (eot[t], 0, 0),
                         pipeline_mode=pl.Buffered(buffer_count=2)),
        ],
        out_specs=pl.BlockSpec((TM, D), lambda t, eot: (t, 0)),
    )
    return pl.pallas_call(
        _gmm_body,
        grid_spec=grid_spec,
        out_shape=jax.ShapeDtypeStruct((MPAD, D), _F32),
        compiler_params=pltpu.CompilerParams(
            dimension_semantics=("parallel",)),
    )(eot, xs, W1, W3, W2)


def _combine(ys, slots):
    @functools.partial(
        pl.kernel,
        mesh=_sc_mesh(),
        out_type=jax.ShapeDtypeStruct((S, D), _F32),
        scratch_types=[
            pltpu.VMEM((TOKW,), _I32),
            pltpu.VMEM((TOKW, D), _F32),
            pltpu.SemaphoreType.DMA,
        ],
    )
    def k(ys_h, slots_h, out_h, idx_v, rows_v, sem):
        wid = lax.axis_index("s") * 2 + lax.axis_index("c")
        base = wid * TOKW
        pltpu.sync_copy(slots_h.at[pl.ds(base, TOKW)], idx_v)
        pltpu.async_copy(ys_h.at[idx_v], rows_v, sem).wait()
        pltpu.sync_copy(rows_v, out_h.at[pl.ds(base, TOKW)])

    return k(ys, slots)


def _final_body(hs_ref, moe_ref, tp_ref, y_ref):
    y_ref[...] = hs_ref[...] + moe_ref[...] * tp_ref[:, 0:1]


def _final(hs, moe, toppb):
    return pl.pallas_call(
        _final_body,
        grid=(NTS,),
        in_specs=[
            pl.BlockSpec((TS, D), lambda t: (t, 0)),
            pl.BlockSpec((TS, D), lambda t: (t, 0)),
            pl.BlockSpec((TS, 128), lambda t: (t, 0)),
        ],
        out_specs=pl.BlockSpec((TS, D), lambda t: (t, 0)),
        out_shape=jax.ShapeDtypeStruct((S, D), _F32),
        compiler_params=pltpu.CompilerParams(
            dimension_semantics=("parallel",)),
    )(hs, moe, toppb)


def kernel(x, freqs_complex, wq, wk, wv, wo, g1, g2, Wr, W1, W2, W3,
           SW1, SW2, SW3):
    x2 = x.reshape(S, D)
    f2 = jnp.repeat(freqs_complex, 2, axis=1)
    fq = jnp.tile(f2, (1, H))
    fk = jnp.tile(f2, (1, KVH))

    q, k, v = _qkv(x2, g1.reshape(1, D), wq, wk, wv, fq, fk)
    q4 = q.reshape(S, KVH, G, HD).transpose(1, 2, 0, 3)
    k4 = k.reshape(S, KVH, HD).transpose(1, 0, 2)
    v4 = v.reshape(S, KVH, HD).transpose(1, 0, 2)
    o4 = _flash(q4, k4, v4)
    ah = o4.transpose(2, 0, 1, 3).reshape(S, D)

    hs, xf, topi, toppb, rank, cnt, aux = _proj_router(
        ah, x2, wo, g2.reshape(1, D), Wr, SW1[0], SW2[0], SW3[0])

    counts = cnt.reshape(E).astype(_I32)
    padded = ((counts + TM - 1) // TM) * TM
    offs = jnp.concatenate(
        [jnp.zeros((1,), _I32), jnp.cumsum(padded)[:-1].astype(_I32)])
    eot = jnp.minimum(
        jnp.repeat(jnp.arange(E, dtype=_I32), padded // TM,
                   total_repeat_length=NTG), E - 1)

    xs, slots = _dispatch(xf, topi.reshape(S), rank.reshape(S), offs)
    ys = _gmm(eot, xs, W1, W3, W2)
    moe = _combine(ys, slots)
    y = _final(hs, moe, toppb)
    return y.reshape(B, S, D), aux[0, 0]

# --- scband reference (transcript-rebuilt; emitter-appended) ---
"""Pipeline reference for scband-block-74380243632568 (READ-ONLY COPY).

The authoritative reference and input builder live on the scoring server;
editing this copy changes nothing except your own understanding.
"""

import jax, jax.numpy as jnp
import numpy as np

B, S, D = 1, 2048, 1024
H, KVH = 16, 4
HD = D // H
E, TOPK, SHARED = 64, 1, 1
HID = 684
EPS = 1e-6
AUX_COEF = 0.01


def setup_inputs(seed: int = 0):
    key = jax.random.key(seed)
    ks = jax.random.split(key, 16)

    def w(k, shape):
        return jax.random.normal(k, shape, dtype=jnp.float32) * 0.02

    return {
        "x": jax.random.normal(ks[0], (B, S, D), dtype=jnp.float32),
        "freqs_complex": jax.random.normal(ks[1], (S, HD // 2), dtype=jnp.float32),
        "wq": w(ks[2], (D, D)),
        "wk": w(ks[3], (KVH * HD, D)),
        "wv": w(ks[4], (KVH * HD, D)),
        "wo": w(ks[5], (D, D)),
        "g1": jnp.ones((D,), jnp.float32),
        "g2": jnp.ones((D,), jnp.float32),
        "Wr": w(ks[6], (E, D)),
        "W1": w(ks[7], (E, HID, D)),
        "W2": w(ks[8], (E, D, HID)),
        "W3": w(ks[9], (E, HID, D)),
        "SW1": w(ks[10], (SHARED, HID, D)),
        "SW2": w(ks[11], (SHARED, D, HID)),
        "SW3": w(ks[12], (SHARED, HID, D)),
    }


def _rmsnorm(x, g):
    return g * (x * jax.lax.rsqrt(jnp.mean(x * x, axis=-1, keepdims=True) + EPS))


def _rotary(x, freqs):
    # torch code: view_as_complex(x reshaped [..., hd//2, 2]) * freqs (real-valued here)
    # complex (a+bi) * real r == (a*r) + (b*r)i  -> elementwise scale of both components
    b, s, h, hd = x.shape
    xr = x.reshape(b, s, h, hd // 2, 2)
    return (xr * freqs[None, :, None, :, None]).reshape(b, s, h, hd)


def _attention(x, freqs, wq, wk, wv, wo):
    b, s, d = x.shape
    q = (x @ wq.T).reshape(b, s, H, HD)
    k = (x @ wk.T).reshape(b, s, KVH, HD)
    v = (x @ wv.T).reshape(b, s, KVH, HD)
    q = _rotary(q, freqs)
    k = _rotary(k, freqs)
    rep = H // KVH
    k = jnp.repeat(k, rep, axis=2)
    v = jnp.repeat(v, rep, axis=2)
    q = q.transpose(0, 2, 1, 3)
    k = k.transpose(0, 2, 1, 3)
    v = v.transpose(0, 2, 1, 3)
    att = (q @ k.transpose(0, 1, 3, 2)) * (1.0 / np.sqrt(HD))
    tri = jnp.tril(jnp.ones((s, s), dtype=bool))
    att = jnp.where(tri[None, None], att, 0.0)
    att = jnp.where(att == 0.0, -jnp.inf, att)
    att = jax.nn.softmax(att, axis=-1)
    out = (att @ v).transpose(0, 2, 1, 3).reshape(b, s, d)
    return out @ wo.T


def reference(x, freqs_complex, wq, wk, wv, wo, g1, g2, Wr, W1, W2, W3, SW1, SW2, SW3):
    # pre-norm transformer block: x + attn(norm(x)); then MoE FFN on norm(h)
    h = x + _attention(_rmsnorm(x, g1), freqs_complex, wq, wk, wv, wo)
    xf = _rmsnorm(h, g2).reshape(-1, D)
    r = xf @ Wr.T
    probs = jax.nn.softmax(r, axis=-1)
    _, topi = jax.lax.top_k(r, TOPK)
    topp, _ = jax.lax.top_k(probs, TOPK)
    mask1 = jax.nn.one_hot(topi[:, 0], E, dtype=jnp.float32)
    aux = AUX_COEF * jnp.sum(mask1.mean(axis=0) * probs.mean(axis=0)) * E
    out = jnp.zeros_like(xf)
    for i in range(TOPK):
        for e in range(E):
            sel = (topi[:, i] == e)[:, None]
            ho = (jax.nn.silu(xf @ W1[e].T) * (xf @ W3[e].T)) @ W2[e].T
            out = out + jnp.where(sel, ho * topp[:, i][:, None], 0.0)
    for j in range(SHARED):
        out = out + (jax.nn.silu(xf @ SW1[j].T) * (xf @ SW3[j].T)) @ SW2[j].T
    y = h + out.reshape(B, S, D)
    return y, aux

if __name__ == "__main__":
    import jax
    _d = setup_inputs()
    print(jax.jit(kernel)(*tuple(_d.values())))

</pallas_src>

<mosaic_0001>
#map = affine_map<(d0, d1) -> (0, 0)>
#map1 = affine_map<(d0, d1) -> (0)>
module attributes {stable_mosaic.version = 14 : i64} {
  func.func @k(%arg0: i32, %arg1: i32, %arg2: memref<2048x1024xf32, #tpu.memory_space<hbm>>, %arg3: memref<2048xi32, #tpu.memory_space<hbm>>, %arg4: memref<2048xi32, #tpu.memory_space<hbm>>, %arg5: memref<64xi32, #tpu.memory_space<hbm>>, %arg6: memref<10240x1024xf32, #tpu.memory_space<hbm>>, %arg7: memref<2048xi32, #tpu.memory_space<hbm>>, %arg8: memref<64xi32, #tpu.memory_space<vmem>>, %arg9: memref<64xi32, #tpu.memory_space<vmem>>, %arg10: memref<64xi32, #tpu.memory_space<vmem>>, %arg11: memref<64xi32, #tpu.memory_space<vmem>>, %arg12: memref<64x1024xf32, #tpu.memory_space<vmem>>, %arg13: memref<!tpu.dma_semaphore, #tpu.memory_space<semaphore_mem>>) attributes {dimension_semantics = [#tpu.dimension_semantics<core_parallel>, #tpu.dimension_semantics<subcore_parallel>], iteration_bounds = array<i64: 2, 16>, scalar_prefetch = 0 : i64, scratch_operands = 6 : i64, tpu.core_type = #tpu.core_type<sc_vector_subcore>, window_params = [{transform_indices = #map}, {transform_indices = #map1}, {transform_indices = #map1}, {transform_indices = #map1}, {transform_indices = #map}, {transform_indices = #map1}]} {
    %mul3A = arith.constant 2 : i32
    %mul3A_0 = arith.muli %arg1, %mul3A : i32
    %add3A = arith.addi %mul3A_0, %arg0 : i32
    %mul3A_1 = arith.constant 64 : i32
    %mul3A_2 = arith.muli %add3A, %mul3A_1 : i32
    "tpu.region"() ({
      %run_scoped3A = tpu.sem_alloc : memref<!tpu.dma_semaphore, #tpu.memory_space<semaphore_mem>>
      %dma_start3A_36 = tpu.memref_slice %arg3[%mul3A_2] : memref<2048xi32, #tpu.memory_space<hbm>> -> memref<64xi32, #tpu.memory_space<hbm>>
      %dma_start3A_37 = tpu.memref_slice %arg3[%mul3A_2] : memref<2048xi32, #tpu.memory_space<hbm>> -> memref<64xi32, #tpu.memory_space<hbm>>
      tpu.enqueue_dma source(%dma_start3A_37 : memref<64xi32, #tpu.memory_space<hbm>>) target(%arg8 : memref<64xi32, #tpu.memory_space<vmem>>) target_semaphore(%run_scoped3A : memref<!tpu.dma_semaphore, #tpu.memory_space<semaphore_mem>>)
      %dma_wait3A_38 = tpu.memref_slice %arg3[%mul3A_2] : memref<2048xi32, #tpu.memory_space<hbm>> -> memref<64xi32, #tpu.memory_space<hbm>>
      %dma_wait3A_39 = tpu.memref_slice %arg3[%mul3A_2] : memref<2048xi32, #tpu.memory_space<hbm>> -> memref<64xi32, #tpu.memory_space<hbm>>
      tpu.wait_dma2 semaphore(%run_scoped3A : memref<!tpu.dma_semaphore, #tpu.memory_space<semaphore_mem>>) src(%dma_wait3A_39 : memref<64xi32, #tpu.memory_space<hbm>>) dst(%arg8 : memref<64xi32, #tpu.memory_space<vmem>>)
      tpu.yield
    }) : () -> ()
    "tpu.region"() ({
      %run_scoped3A = tpu.sem_alloc : memref<!tpu.dma_semaphore, #tpu.memory_space<semaphore_mem>>
      %dma_start3A_36 = tpu.memref_slice %arg4[%mul3A_2] : memref<2048xi32, #tpu.memory_space<hbm>> -> memref<64xi32, #tpu.memory_space<hbm>>
      %dma_start3A_37 = tpu.memref_slice %arg4[%mul3A_2] : memref<2048xi32, #tpu.memory_space<hbm>> -> memref<64xi32, #tpu.memory_space<hbm>>
      tpu.enqueue_dma source(%dma_start3A_37 : memref<64xi32, #tpu.memory_space<hbm>>) target(%arg9 : memref<64xi32, #tpu.memory_space<vmem>>) target_semaphore(%run_scoped3A : memref<!tpu.dma_semaphore, #tpu.memory_space<semaphore_mem>>)
      %dma_wait3A_38 = tpu.memref_slice %arg4[%mul3A_2] : memref<2048xi32, #tpu.memory_space<hbm>> -> memref<64xi32, #tpu.memory_space<hbm>>
      %dma_wait3A_39 = tpu.memref_slice %arg4[%mul3A_2] : memref<2048xi32, #tpu.memory_space<hbm>> -> memref<64xi32, #tpu.memory_space<hbm>>
      tpu.wait_dma2 semaphore(%run_scoped3A : memref<!tpu.dma_semaphore, #tpu.memory_space<semaphore_mem>>) src(%dma_wait3A_39 : memref<64xi32, #tpu.memory_space<hbm>>) dst(%arg9 : memref<64xi32, #tpu.memory_space<vmem>>)
      tpu.yield
    }) : () -> ()
    "tpu.region"() ({
      %run_scoped3A = tpu.sem_alloc : memref<!tpu.dma_semaphore, #tpu.memory_space<semaphore_mem>>
      tpu.enqueue_dma source(%arg5 : memref<64xi32, #tpu.memory_space<hbm>>) target(%arg10 : memref<64xi32, #tpu.memory_space<vmem>>) target_semaphore(%run_scoped3A : memref<!tpu.dma_semaphore, #tpu.memory_space<semaphore_mem>>)
      tpu.wait_dma2 semaphore(%run_scoped3A : memref<!tpu.dma_semaphore, #tpu.memory_space<semaphore_mem>>) src(%arg5 : memref<64xi32, #tpu.memory_space<hbm>>) dst(%arg10 : memref<64xi32, #tpu.memory_space<vmem>>)
      tpu.yield
    }) : () -> ()
    %get3A = arith.constant 0 : index
    %get3A_3 = tpu.vector_load %arg8[%get3A] {strides = array<i32>} : memref<64xi32, #tpu.memory_space<vmem>>, vector<16xi32>,
    %gather3A = tpu.vector_load_idx %arg10[%get3A_3] : memref<64xi32, #tpu.memory_space<vmem>>[vector<16xi32>], vector<16xi32>,
    %get3A_4 = arith.constant 0 : index
    %get3A_5 = tpu.vector_load %arg9[%get3A_4] {strides = array<i32>} : memref<64xi32, #tpu.memory_space<vmem>>, vector<16xi32>,
    %add3A_6 = arith.addi %gather3A, %get3A_5 : vector<16xi32>
    %swap3A = arith.constant 0 : index
    %swap3A_7 = tpu.vector_load %arg11[%swap3A] {strides = array<i32>} : memref<64xi32, #tpu.memory_space<vmem>>, vector<16xi32>,
    tpu.vector_store %arg11[%swap3A], %add3A_6 {strides = array<i32>} : memref<64xi32, #tpu.memory_space<vmem>>, vector<16xi32>,
    %get3A_8 = arith.constant 16 : index
    %get3A_9 = tpu.vector_load %arg8[%get3A_8] {strides = array<i32>} : memref<64xi32, #tpu.memory_space<vmem>>, vector<16xi32>,
    %gather3A_10 = tpu.vector_load_idx %arg10[%get3A_9] : memref<64xi32, #tpu.memory_space<vmem>>[vector<16xi32>], vector<16xi32>,
    %get3A_11 = arith.constant 16 : index
    %get3A_12 = tpu.vector_load %arg9[%get3A_11] {strides = array<i32>} : memref<64xi32, #tpu.memory_space<vmem>>, vector<16xi32>,
    %add3A_13 = arith.addi %gather3A_10, %get3A_12 : vector<16xi32>
    %swap3A_14 = arith.constant 16 : index
    %swap3A_15 = tpu.vector_load %arg11[%swap3A_14] {strides = array<i32>} : memref<64xi32, #tpu.memory_space<vmem>>, vector<16xi32>,
    tpu.vector_store %arg11[%swap3A_14], %add3A_13 {strides = array<i32>} : memref<64xi32, #tpu.memory_space<vmem>>, vector<16xi32>,
    %get3A_16 = arith.constant 32 : index
    %get3A_17 = tpu.vector_load %arg8[%get3A_16] {strides = array<i32>} : memref<64xi32, #tpu.memory_space<vmem>>, vector<16xi32>,
    %gather3A_18 = tpu.vector_load_idx %arg10[%get3A_17] : memref<64xi32, #tpu.memory_space<vmem>>[vector<16xi32>], vector<16xi32>,
    %get3A_19 = arith.constant 32 : index
    %get3A_20 = tpu.vector_load %arg9[%get3A_19] {strides = array<i32>} : memref<64xi32, #tpu.memory_space<vmem>>, vector<16xi32>,
    %add3A_21 = arith.addi %gather3A_18, %get3A_20 : vector<16xi32>
    %swap3A_22 = arith.constant 32 : index
    %swap3A_23 = tpu.vector_load %arg11[%swap3A_22] {strides = array<i32>} : memref<64xi32, #tpu.memory_space<vmem>>, vector<16xi32>,
    tpu.vector_store %arg11[%swap3A_22], %add3A_21 {strides = array<i32>} : memref<64xi32, #tpu.memory_space<vmem>>, vector<16xi32>,
    %get3A_24 = arith.constant 48 : index
    %get3A_25 = tpu.vector_load %arg8[%get3A_24] {strides = array<i32>} : memref<64xi32, #tpu.memory_space<vmem>>, vector<16xi32>,
    %gather3A_26 = tpu.vector_load_idx %arg10[%get3A_25] : memref<64xi32, #tpu.memory_space<vmem>>[vector<16xi32>], vector<16xi32>,
    %get3A_27 = arith.constant 48 : index
    %get3A_28 = tpu.vector_load %arg9[%get3A_27] {strides = array<i32>} : memref<64xi32, #tpu.memory_space<vmem>>, vector<16xi32>,
    %add3A_29 = arith.addi %gather3A_26, %get3A_28 : vector<16xi32>
    %swap3A_30 = arith.constant 48 : index
    %swap3A_31 = tpu.vector_load %arg11[%swap3A_30] {strides = array<i32>} : memref<64xi32, #tpu.memory_space<vmem>>, vector<16xi32>,
    tpu.vector_store %arg11[%swap3A_30], %add3A_29 {strides = array<i32>} : memref<64xi32, #tpu.memory_space<vmem>>, vector<16xi32>,
    "tpu.region"() ({
      %run_scoped3A = tpu.sem_alloc : memref<!tpu.dma_semaphore, #tpu.memory_space<semaphore_mem>>
      %dma_start3A_36 = tpu.memref_slice %arg7[%mul3A_2] : memref<2048xi32, #tpu.memory_space<hbm>> -> memref<64xi32, #tpu.memory_space<hbm>>
      %dma_start3A_37 = tpu.memref_slice %arg7[%mul3A_2] : memref<2048xi32, #tpu.memory_space<hbm>> -> memref<64xi32, #tpu.memory_space<hbm>>
      tpu.enqueue_dma source(%arg11 : memref<64xi32, #tpu.memory_space<vmem>>) target(%dma_start3A_37 : memref<64xi32, #tpu.memory_space<hbm>>) target_semaphore(%run_scoped3A : memref<!tpu.dma_semaphore, #tpu.memory_space<semaphore_mem>>)
      %dma_wait3A_38 = tpu.memref_slice %arg7[%mul3A_2] : memref<2048xi32, #tpu.memory_space<hbm>> -> memref<64xi32, #tpu.memory_space<hbm>>
      %dma_wait3A_39 = tpu.memref_slice %arg7[%mul3A_2] : memref<2048xi32, #tpu.memory_space<hbm>> -> memref<64xi32, #tpu.memory_space<hbm>>
      tpu.wait_dma2 semaphore(%run_scoped3A : memref<!tpu.dma_semaphore, #tpu.memory_space<semaphore_mem>>) src(%arg11 : memref<64xi32, #tpu.memory_space<vmem>>) dst(%dma_wait3A_39 : memref<64xi32, #tpu.memory_space<hbm>>)
      tpu.yield
    }) : () -> ()
    "tpu.region"() ({
      %run_scoped3A = tpu.sem_alloc : memref<!tpu.dma_semaphore, #tpu.memory_space<semaphore_mem>>
      %dma_start3A_36 = arith.constant 0 : i32
      %dma_start3A_37 = tpu.memref_slice %arg2[%mul3A_2, %dma_start3A_36] : memref<2048x1024xf32, #tpu.memory_space<hbm>> -> memref<64x1024xf32, #tpu.memory_space<hbm>>
      %dma_start3A_38 = arith.constant 0 : i32
      %dma_start3A_39 = tpu.memref_slice %arg2[%mul3A_2, %dma_start3A_38] : memref<2048x1024xf32, #tpu.memory_space<hbm>> -> memref<64x1024xf32, #tpu.memory_space<hbm>>
      tpu.enqueue_dma source(%dma_start3A_39 : memref<64x1024xf32, #tpu.memory_space<hbm>>) target(%arg12 : memref<64x1024xf32, #tpu.memory_space<vmem>>) target_semaphore(%run_scoped3A : memref<!tpu.dma_semaphore, #tpu.memory_space<semaphore_mem>>)
      %dma_wait3A_40 = arith.constant 0 : i32
      %dma_wait3A_41 = tpu.memref_slice %arg2[%mul3A_2, %dma_wait3A_40] : memref<2048x1024xf32, #tpu.memory_space<hbm>> -> memref<64x1024xf32, #tpu.memory_space<hbm>>
      %dma_wait3A_42 = arith.constant 0 : i32
      %dma_wait3A_43 = tpu.memref_slice %arg2[%mul3A_2, %dma_wait3A_42] : memref<2048x1024xf32, #tpu.memory_space<hbm>> -> memref<64x1024xf32, #tpu.memory_space<hbm>>
      tpu.wait_dma2 semaphore(%run_scoped3A : memref<!tpu.dma_semaphore, #tpu.memory_space<semaphore_mem>>) src(%dma_wait3A_43 : memref<64x1024xf32, #tpu.memory_space<hbm>>) dst(%arg12 : memref<64x1024xf32, #tpu.memory_space<vmem>>)
      tpu.yield
    }) : () -> ()
    %dma_start3A = arith.constant 0 : i32
    %dma_start3A_32 = arith.constant 0 : i32
    %dma_start3A_33 = tpu.memref_slice %arg6[%dma_start3A, %dma_start3A_32] : memref<10240x1024xf32, #tpu.memory_space<hbm>> -> memref<10240x1024xf32, #tpu.memory_space<hbm>>
    tpu.enqueue_indirect_dma source(%arg12 : memref<64x1024xf32, #tpu.memory_space<vmem>>) target(%dma_start3A_33 : memref<10240x1024xf32, #tpu.memory_space<hbm>>) offsets(%arg11 : memref<64xi32, #tpu.memory_space<vmem>>) semaphore(%arg13 : memref<!tpu.dma_semaphore, #tpu.memory_space<semaphore_mem>>)
    %dma_wait3A = arith.constant 0 : i32
    %dma_wait3A_34 = arith.constant 0 : i32
    %dma_wait3A_35 = tpu.memref_slice %arg6[%dma_wait3A, %dma_wait3A_34] : memref<10240x1024xf32, #tpu.memory_space<hbm>> -> memref<10240x1024xf32, #tpu.memory_space<hbm>>
    tpu.wait_indirect_dma semaphore(%arg13 : memref<!tpu.dma_semaphore, #tpu.memory_space<semaphore_mem>>) src(%arg12 : memref<64x1024xf32, #tpu.memory_space<vmem>>) dst(%dma_wait3A_35 : memref<10240x1024xf32, #tpu.memory_space<hbm>>)
    return
  }
}

#map = affine_map<(d0, d1) -> (0, 0)>
#map1 = affine_map<(d0, d1) -> (0)>
module attributes {stable_mosaic.version = 14 : i64} {
  func.func @k(%arg0: i32, %arg1: i32, %arg2: memref<10240x1024xf32, #tpu.memory_space<hbm>>, %arg3: memref<2048xi32, #tpu.memory_space<hbm>>, %arg4: memref<2048x1024xf32, #tpu.memory_space<hbm>>, %arg5: memref<64xi32, #tpu.memory_space<vmem>>, %arg6: memref<64x1024xf32, #tpu.memory_space<vmem>>, %arg7: memref<!tpu.dma_semaphore, #tpu.memory_space<semaphore_mem>>) attributes {dimension_semantics = [#tpu.dimension_semantics<core_parallel>, #tpu.dimension_semantics<subcore_parallel>], iteration_bounds = array<i64: 2, 16>, scalar_prefetch = 0 : i64, scratch_operands = 3 : i64, tpu.core_type = #tpu.core_type<sc_vector_subcore>, window_params = [{transform_indices = #map}, {transform_indices = #map1}, {transform_indices = #map}]} {
    %mul3A = arith.constant 2 : i32
    %mul3A_0 = arith.muli %arg1, %mul3A : i32
    %add3A = arith.addi %mul3A_0, %arg0 : i32
    %mul3A_1 = arith.constant 64 : i32
    %mul3A_2 = arith.muli %add3A, %mul3A_1 : i32
    "tpu.region"() ({
      %run_scoped3A = tpu.sem_alloc : memref<!tpu.dma_semaphore, #tpu.memory_space<semaphore_mem>>
      %dma_start3A_7 = tpu.memref_slice %arg3[%mul3A_2] : memref<2048xi32, #tpu.memory_space<hbm>> -> memref<64xi32, #tpu.memory_space<hbm>>
      %dma_start3A_8 = tpu.memref_slice %arg3[%mul3A_2] : memref<2048xi32, #tpu.memory_space<hbm>> -> memref<64xi32, #tpu.memory_space<hbm>>
      tpu.enqueue_dma source(%dma_start3A_8 : memref<64xi32, #tpu.memory_space<hbm>>) target(%arg5 : memref<64xi32, #tpu.memory_space<vmem>>) target_semaphore(%run_scoped3A : memref<!tpu.dma_semaphore, #tpu.memory_space<semaphore_mem>>)
      %dma_wait3A_9 = tpu.memref_slice %arg3[%mul3A_2] : memref<2048xi32, #tpu.memory_space<hbm>> -> memref<64xi32, #tpu.memory_space<hbm>>
      %dma_wait3A_10 = tpu.memref_slice %arg3[%mul3A_2] : memref<2048xi32, #tpu.memory_space<hbm>> -> memref<64xi32, #tpu.memory_space<hbm>>
      tpu.wait_dma2 semaphore(%run_scoped3A : memref<!tpu.dma_semaphore, #tpu.memory_space<semaphore_mem>>) src(%dma_wait3A_10 : memref<64xi32, #tpu.memory_space<hbm>>) dst(%arg5 : memref<64xi32, #tpu.memory_space<vmem>>)
      tpu.yield
    }) : () -> ()
    %dma_start3A = arith.constant 0 : i32
    %dma_start3A_3 = arith.constant 0 : i32
    %dma_start3A_4 = tpu.memref_slice %arg2[%dma_start3A, %dma_start3A_3] : memref<10240x1024xf32, #tpu.memory_space<hbm>> -> memref<10240x1024xf32, #tpu.memory_space<hbm>>
    tpu.enqueue_indirect_dma source(%dma_start3A_4 : memref<10240x1024xf32, #tpu.memory_space<hbm>>) target(%arg6 : memref<64x1024xf32, #tpu.memory_space<vmem>>) offsets(%arg5 : memref<64xi32, #tpu.memory_space<vmem>>) semaphore(%arg7 : memref<!tpu.dma_semaphore, #tpu.memory_space<semaphore_mem>>)
    %dma_wait3A = arith.constant 0 : i32
    %dma_wait3A_5 = arith.constant 0 : i32
    %dma_wait3A_6 = tpu.memref_slice %arg2[%dma_wait3A, %dma_wait3A_5] : memref<10240x1024xf32, #tpu.memory_space<hbm>> -> memref<10240x1024xf32, #tpu.memory_space<hbm>>
    tpu.wait_indirect_dma semaphore(%arg7 : memref<!tpu.dma_semaphore, #tpu.memory_space<semaphore_mem>>) src(%dma_wait3A_6 : memref<10240x1024xf32, #tpu.memory_space<hbm>>) dst(%arg6 : memref<64x1024xf32, #tpu.memory_space<vmem>>)
    "tpu.region"() ({
      %run_scoped3A = tpu.sem_alloc : memref<!tpu.dma_semaphore, #tpu.memory_space<semaphore_mem>>
      %dma_start3A_7 = arith.constant 0 : i32
      %dma_start3A_8 = tpu.memref_slice %arg4[%mul3A_2, %dma_start3A_7] : memref<2048x1024xf32, #tpu.memory_space<hbm>> -> memref<64x1024xf32, #tpu.memory_space<hbm>>
      %dma_start3A_9 = arith.constant 0 : i32
      %dma_start3A_10 = tpu.memref_slice %arg4[%mul3A_2, %dma_start3A_9] : memref<2048x1024xf32, #tpu.memory_space<hbm>> -> memref<64x1024xf32, #tpu.memory_space<hbm>>
      tpu.enqueue_dma source(%arg6 : memref<64x1024xf32, #tpu.memory_space<vmem>>) target(%dma_start3A_10 : memref<64x1024xf32, #tpu.memory_space<hbm>>) target_semaphore(%run_scoped3A : memref<!tpu.dma_semaphore, #tpu.memory_space<semaphore_mem>>)
      %dma_wait3A_11 = arith.constant 0 : i32
      %dma_wait3A_12 = tpu.memref_slice %arg4[%mul3A_2, %dma_wait3A_11] : memref<2048x1024xf32, #tpu.memory_space<hbm>> -> memref<64x1024xf32, #tpu.memory_space<hbm>>
      %dma_wait3A_13 = arith.constant 0 : i32
      %dma_wait3A_14 = tpu.memref_slice %arg4[%mul3A_2, %dma_wait3A_13] : memref<2048x1024xf32, #tpu.memory_space<hbm>> -> memref<64x1024xf32, #tpu.memory_space<hbm>>
      tpu.wait_dma2 semaphore(%run_scoped3A : memref<!tpu.dma_semaphore, #tpu.memory_space<semaphore_mem>>) src(%arg6 : memref<64x1024xf32, #tpu.memory_space<vmem>>) dst(%dma_wait3A_14 : memref<64x1024xf32, #tpu.memory_space<hbm>>)
      tpu.yield
    }) : () -> ()
    return
  }
}

module attributes {stable_mosaic.version = 14 : i64} {
  func.func @_qkv_body(%arg0: i32, %arg1: memref<256x1024xf32, #tpu.memory_space<vmem>>, %arg2: memref<1x1024xf32, #tpu.memory_space<vmem>>, %arg3: memref<1024x1024xf32, #tpu.memory_space<vmem>>, %arg4: memref<256x1024xf32, #tpu.memory_space<vmem>>, %arg5: memref<256x1024xf32, #tpu.memory_space<vmem>>, %arg6: memref<256x1024xf32, #tpu.memory_space<vmem>>, %arg7: memref<256x256xf32, #tpu.memory_space<vmem>>, %arg8: memref<256x1024xbf16, #tpu.memory_space<vmem>>, %arg9: memref<256x256xbf16, #tpu.memory_space<vmem>>, %arg10: memref<256x256xbf16, #tpu.memory_space<vmem>>) attributes {dimension_semantics = [#tpu.dimension_semantics<parallel>], iteration_bounds = array<i64: 8>, scalar_prefetch = 0 : i64, scratch_operands = 0 : i64, tpu.core_type = #tpu.core_type<tc>, window_params = [{transform_indices = @transform_0, window_bounds = array<i64: 256, 1024>}, {pipeline_mode = #tpu.pipeline_mode<synchronous>, transform_indices = @transform_1, window_bounds = array<i64: 1, 1024>}, {pipeline_mode = #tpu.pipeline_mode<synchronous>, transform_indices = @transform_2, window_bounds = array<i64: 1024, 1024>}, {pipeline_mode = #tpu.pipeline_mode<synchronous>, transform_indices = @transform_3, window_bounds = array<i64: 256, 1024>}, {pipeline_mode = #tpu.pipeline_mode<synchronous>, transform_indices = @transform_4, window_bounds = array<i64: 256, 1024>}, {transform_indices = @transform_5, window_bounds = array<i64: 256, 1024>}, {transform_indices = @transform_6, window_bounds = array<i64: 256, 256>}, {transform_indices = @transform_7, window_bounds = array<i64: 256, 1024>}, {transform_indices = @transform_8, window_bounds = array<i64: 256, 256>}, {transform_indices = @transform_9, window_bounds = array<i64: 256, 256>}]} {
    %get3A = arith.constant 0 : index
    %get3A_0 = arith.constant 0 : index
    %get3A_1 = vector.load %arg1[%get3A, %get3A_0] : memref<256x1024xf32, #tpu.memory_space<vmem>>, vector<256x1024xf32>
    %mul3A = arith.mulf %get3A_1, %get3A_1 : vector<256x1024xf32>
    %reduce_sum3A = arith.constant dense<0.000000e+00> : vector<256xf32>
    %reduce_sum3A_2 = vector.multi_reduction <add>, %mul3A, %reduce_sum3A [1] : vector<256x1024xf32> to vector<256xf32>
    %broadcast_in_dim3A = vector.shape_cast %reduce_sum3A_2 : vector<256xf32> to vector<256x1xf32>
    %div3A = arith.constant 1.024000e+03 : f32
    %div3A_3 = vector.broadcast %div3A : f32 to vector<256x1xf32>
    %div3A_4 = arith.divf %broadcast_in_dim3A, %div3A_3 : vector<256x1xf32>
    %add3A = arith.constant 9.99999997E-7 : f32
    %add3A_5 = vector.broadcast %add3A : f32 to vector<256x1xf32>
    %add3A_6 = arith.addf %div3A_4, %add3A_5 : vector<256x1xf32>
    %rsqrt3A = math.rsqrt %add3A_6 : vector<256x1xf32>
    %mul3A_7 = vector.broadcast %rsqrt3A : vector<256x1xf32> to vector<256x1024xf32>
    %mul3A_8 = arith.mulf %get3A_1, %mul3A_7 : vector<256x1024xf32>
    %get3A_9 = arith.constant 0 : index
    %get3A_10 = arith.constant 0 : index
    %get3A_11 = vector.load %arg2[%get3A_9, %get3A_10] : memref<1x1024xf32, #tpu.memory_space<vmem>>, vector<1x1024xf32>
    %mul3A_12 = vector.broadcast %get3A_11 : vector<1x1024xf32> to vector<256x1024xf32>
    %mul3A_13 = arith.mulf %mul3A_8, %mul3A_12 : vector<256x1024xf32>
    %convert_element_type3A = arith.truncf %mul3A_13 : vector<256x1024xf32> to vector<256x1024xbf16>
    %get3A_14 = arith.constant 0 : index
    %get3A_15 = arith.constant 0 : index
    %get3A_16 = vector.load %arg3[%get3A_14, %get3A_15] : memref<1024x1024xf32, #tpu.memory_space<vmem>>, vector<1024x1024xf32>
    %convert_element_type3A_17 = arith.truncf %get3A_16 : vector<1024x1024xf32> to vector<1024x1024xbf16>
    %get3A_18 = arith.constant 0 : index
    %get3A_19 = arith.constant 0 : index
    %get3A_20 = vector.load %arg4[%get3A_18, %get3A_19] : memref<256x1024xf32, #tpu.memory_space<vmem>>, vector<256x1024xf32>
    %convert_element_type3A_21 = arith.truncf %get3A_20 : vector<256x1024xf32> to vector<256x1024xbf16>
    %get3A_22 = arith.constant 0 : index
    %get3A_23 = arith.constant 0 : index
    %get3A_24 = vector.load %arg5[%get3A_22, %get3A_23] : memref<256x1024xf32, #tpu.memory_space<vmem>>, vector<256x1024xf32>
    %convert_element_type3A_25 = arith.truncf %get3A_24 : vector<256x1024xf32> to vector<256x1024xbf16>
    %dot_general3A = arith.constant dense<0.000000e+00> : vector<256x1024xf32>
    %dot_general3A_26 = tpu.matmul %convert_element_type3A, %convert_element_type3A_17, %dot_general3A {dimension_numbers = #tpu.dot_dimension_numbers<[1], [1], [0], [0], [0, 0, 1, 0], [], []>, transpose_lhs_hint = false} : vector<256x1024xbf16>, vector<1024x1024xbf16>, vector<256x1024xf32> -> vector<256x1024xf32>
    %dot_general3A_27 = arith.constant dense<0.000000e+00> : vector<256x256xf32>
    %dot_general3A_28 = tpu.matmul %convert_element_type3A, %convert_element_type3A_21, %dot_general3A_27 {dimension_numbers = #tpu.dot_dimension_numbers<[1], [1], [0], [0], [0, 0, 1, 0], [], []>, transpose_lhs_hint = false} : vector<256x1024xbf16>, vector<256x1024xbf16>, vector<256x256xf32> -> vector<256x256xf32>
    %dot_general3A_29 = arith.constant dense<0.000000e+00> : vector<256x256xf32>
    %dot_general3A_30 = tpu.matmul %convert_element_type3A, %convert_element_type3A_25, %dot_general3A_29 {dimension_numbers = #tpu.dot_dimension_numbers<[1], [1], [0], [0], [0, 0, 1, 0], [], []>, transpose_lhs_hint = false} : vector<256x1024xbf16>, vector<256x1024xbf16>, vector<256x256xf32> -> vector<256x256xf32>
    %get3A_31 = arith.constant 0 : index
    %get3A_32 = arith.constant 0 : index
    %get3A_33 = vector.load %arg6[%get3A_31, %get3A_32] : memref<256x1024xf32, #tpu.memory_space<vmem>>, vector<256x1024xf32>
    %mul3A_34 = arith.mulf %dot_general3A_26, %get3A_33 : vector<256x1024xf32>
    %convert_element_type3A_35 = arith.truncf %mul3A_34 : vector<256x1024xf32> to vector<256x1024xbf16>
    %swap3A = arith.constant 0 : index
    %swap3A_36 = arith.constant 0 : index
    %swap3A_37 = vector.load %arg8[%swap3A, %swap3A_36] : memref<256x1024xbf16, #tpu.memory_space<vmem>>, vector<256x1024xbf16>
    tpu.vector_store %arg8[%swap3A, %swap3A_36], %convert_element_type3A_35 {strides = array<i32>} : memref<256x1024xbf16, #tpu.memory_space<vmem>>, vector<256x1024xbf16>,
    %get3A_38 = arith.constant 0 : index
    %get3A_39 = arith.constant 0 : index
    %get3A_40 = vector.load %arg7[%get3A_38, %get3A_39] : memref<256x256xf32, #tpu.memory_space<vmem>>, vector<256x256xf32>
    %mul3A_41 = arith.mulf %dot_general3A_28, %get3A_40 : vector<256x256xf32>
    %convert_element_type3A_42 = arith.truncf %mul3A_41 : vector<256x256xf32> to vector<256x256xbf16>
    %swap3A_43 = arith.constant 0 : index
    %swap3A_44 = arith.constant 0 : index
    %swap3A_45 = vector.load %arg9[%swap3A_43, %swap3A_44] : memref<256x256xbf16, #tpu.memory_space<vmem>>, vector<256x256xbf16>
    tpu.vector_store %arg9[%swap3A_43, %swap3A_44], %convert_element_type3A_42 {strides = array<i32>} : memref<256x256xbf16, #tpu.memory_space<vmem>>, vector<256x256xbf16>,
    %convert_element_type3A_46 = arith.truncf %dot_general3A_30 : vector<256x256xf32> to vector<256x256xbf16>
    %swap3A_47 = arith.constant 0 : index
    %swap3A_48 = arith.constant 0 : index
    %swap3A_49 = vector.load %arg10[%swap3A_47, %swap3A_48] : memref<256x256xbf16, #tpu.memory_space<vmem>>, vector<256x256xbf16>
    tpu.vector_store %arg10[%swap3A_47, %swap3A_48], %convert_element_type3A_46 {strides = array<i32>} : memref<256x256xbf16, #tpu.memory_space<vmem>>, vector<256x256xbf16>,
    return
  }
  func.func @transform_0(%arg0: i32) -> (i32, i32) {
    %c0_i32 = arith.constant 0 : i32
    %c0_i32_0 = arith.constant 0 : i32
    return %arg0, %c0_i32 : i32, i32
  }
  func.func @transform_1(%arg0: i32) -> (i32, i32) {
    %c0_i32 = arith.constant 0 : i32
    %c0_i32_0 = arith.constant 0 : i32
    %c0_i32_1 = arith.constant 0 : i32
    return %c0_i32, %c0_i32_0 : i32, i32
  }
  func.func @transform_2(%arg0: i32) -> (i32, i32) {
    %c0_i32 = arith.constant 0 : i32
    %c0_i32_0 = arith.constant 0 : i32
    %c0_i32_1 = arith.constant 0 : i32
    return %c0_i32, %c0_i32_0 : i32, i32
  }
  func.func @transform_3(%arg0: i32) -> (i32, i32) {
    %c0_i32 = arith.constant 0 : i32
    %c0_i32_0 = arith.constant 0 : i32
    %c0_i32_1 = arith.constant 0 : i32
    return %c0_i32, %c0_i32_0 : i32, i32
  }
  func.func @transform_4(%arg0: i32) -> (i32, i32) {
    %c0_i32 = arith.constant 0 : i32
    %c0_i32_0 = arith.constant 0 : i32
    %c0_i32_1 = arith.constant 0 : i32
    return %c0_i32, %c0_i32_0 : i32, i32
  }
  func.func @transform_5(%arg0: i32) -> (i32, i32) {
    %c0_i32 = arith.constant 0 : i32
    %c0_i32_0 = arith.constant 0 : i32
    return %arg0, %c0_i32 : i32, i32
  }
  func.func @transform_6(%arg0: i32) -> (i32, i32) {
    %c0_i32 = arith.constant 0 : i32
    %c0_i32_0 = arith.constant 0 : i32
    return %arg0, %c0_i32 : i32, i32
  }
  func.func @transform_7(%arg0: i32) -> (i32, i32) {
    %c0_i32 = arith.constant 0 : i32
    %c0_i32_0 = arith.constant 0 : i32
    return %arg0, %c0_i32 : i32, i32
  }
  func.func @transform_8(%arg0: i32) -> (i32, i32) {
    %c0_i32 = arith.constant 0 : i32
    %c0_i32_0 = arith.constant 0 : i32
    return %arg0, %c0_i32 : i32, i32
  }
  func.func @transform_9(%arg0: i32) -> (i32, i32) {
    %c0_i32 = arith.constant 0 : i32
    %c0_i32_0 = arith.constant 0 : i32
    return %arg0, %c0_i32 : i32, i32
  }
}

module attributes {stable_mosaic.version = 14 : i64} {
  func.func @_flash_body(%arg0: i32, %arg1: i32, %arg2: i32, %arg3: memref<1x1x512x64xbf16, #tpu.memory_space<vmem>>, %arg4: memref<1x2048x64xbf16, #tpu.memory_space<vmem>>, %arg5: memref<1x2048x64xbf16, #tpu.memory_space<vmem>>, %arg6: memref<1x1x512x64xf32, #tpu.memory_space<vmem>>) attributes {dimension_semantics = [#tpu.dimension_semantics<parallel>, #tpu.dimension_semantics<parallel>, #tpu.dimension_semantics<parallel>], iteration_bounds = array<i64: 4, 4, 4>, scalar_prefetch = 0 : i64, scratch_operands = 0 : i64, tpu.core_type = #tpu.core_type<tc>, window_params = [{transform_indices = @transform_0, window_bounds = array<i64: 1, 1, 512, 64>}, {transform_indices = @transform_1, window_bounds = array<i64: 1, 2048, 64>}, {transform_indices = @transform_2, window_bounds = array<i64: 1, 2048, 64>}, {transform_indices = @transform_3, window_bounds = array<i64: 1, 1, 512, 64>}]} {
    %get3A = arith.constant 0 : index
    %get3A_0 = arith.constant 0 : index
    %get3A_1 = arith.constant 0 : index
    %get3A_2 = arith.constant 0 : index
    %get3A_3 = vector.load %arg3[%get3A, %get3A_0, %get3A_1, %get3A_2] : memref<1x1x512x64xbf16, #tpu.memory_space<vmem>>, vector<1x1x512x64xbf16>
    %get3A_4 = vector.shape_cast %get3A_3 : vector<1x1x512x64xbf16> to vector<512x64xbf16>
    %mul3A = arith.constant 1.250000e-01 : bf16
    %mul3A_5 = vector.broadcast %mul3A : bf16 to vector<512x64xbf16>
    %mul3A_6 = arith.mulf %get3A_4, %mul3A_5 : vector<512x64xbf16>
    %iota3A = tpu.iota {dimensions = array<i32: 0>} : vector<512x512xi32>
    %iota3A_7 = tpu.iota {dimensions = array<i32: 1>} : vector<512x512xi32>
    %broadcast_in_dim3A = arith.constant -1.000000e+30 : f32
    %broadcast_in_dim3A_8 = vector.broadcast %broadcast_in_dim3A : f32 to vector<512x1xf32>
    %broadcast_in_dim3A_9 = arith.constant 0.000000e+00 : f32
    %broadcast_in_dim3A_10 = vector.broadcast %broadcast_in_dim3A_9 : f32 to vector<512x1xf32>
    %broadcast_in_dim3A_11 = arith.constant 0.000000e+00 : f32
    %broadcast_in_dim3A_12 = vector.broadcast %broadcast_in_dim3A_11 : f32 to vector<512x64xf32>
    %add3A = arith.constant 1 : i32
    %add3A_13 = arith.addi %arg2, %add3A : i32
    %while3A = arith.constant 0 : i32
    %while3A_14 = arith.subi %add3A_13, %while3A : i32
    %while3A_15 = arith.addi %while3A, %while3A_14 : i32
    %while3A_16 = arith.constant 1 : i32
    %while3A_17 = arith.divsi %while3A_14, %while3A_16 : i32
    %while3A_18 = arith.muli %while3A_17, %while3A_16 : i32
    %while3A_19 = arith.addi %while3A, %while3A_18 : i32
    %while3A_20 = arith.constant 1 : i32
    %while3A_21:3 = scf.for %while3A_31 = %while3A to %while3A_19 step %while3A_20 iter_args(%while3A_32 = %broadcast_in_dim3A_8, %while3A_33 = %broadcast_in_dim3A_10, %while3A_34 = %broadcast_in_dim3A_12) -> (vector<512x1xf32>, vector<512x1xf32>, vector<512x64xf32>)  : i32 {
      %mul3A_35 = arith.constant 512 : i32
      %mul3A_36 = arith.muli %while3A_31, %mul3A_35 : i32
      %get3A_37 = arith.constant 0 : index
      %get3A_38 = arith.index_cast %mul3A_36 : i32 to index
      %get3A_39 = arith.constant 0 : index
      %get3A_40 = vector.load %arg4[%get3A_37, %get3A_38, %get3A_39] : memref<1x2048x64xbf16, #tpu.memory_space<vmem>>, vector<1x512x64xbf16>
      %get3A_41 = vector.shape_cast %get3A_40 : vector<1x512x64xbf16> to vector<512x64xbf16>
      %mul3A_42 = arith.constant 512 : i32
      %mul3A_43 = arith.muli %while3A_31, %mul3A_42 : i32
      %get3A_44 = arith.constant 0 : index
      %get3A_45 = arith.index_cast %mul3A_43 : i32 to index
      %get3A_46 = arith.constant 0 : index
      %get3A_47 = vector.load %arg5[%get3A_44, %get3A_45, %get3A_46] : memref<1x2048x64xbf16, #tpu.memory_space<vmem>>, vector<1x512x64xbf16>
      %get3A_48 = vector.shape_cast %get3A_47 : vector<1x512x64xbf16> to vector<512x64xbf16>
      %dot_general3A = arith.constant dense<0.000000e+00> : vector<512x512xf32>
      %dot_general3A_49 = tpu.matmul %mul3A_6, %get3A_41, %dot_general3A {dimension_numbers = #tpu.dot_dimension_numbers<[1], [1], [0], [0], [0, 0, 1, 0], [], []>, transpose_lhs_hint = false} : vector<512x64xbf16>, vector<512x64xbf16>, vector<512x512xf32> -> vector<512x512xf32>
      %mul3A_50 = arith.constant 512 : i32
      %mul3A_51 = arith.muli %arg2, %mul3A_50 : i32
      %add3A_52 = vector.broadcast %mul3A_51 : i32 to vector<512x512xi32>
      %add3A_53 = arith.addi %add3A_52, %iota3A : vector<512x512xi32>
      %mul3A_54 = arith.constant 512 : i32
      %mul3A_55 = arith.muli %while3A_31, %mul3A_54 : i32
      %add3A_56 = vector.broadcast %mul3A_55 : i32 to vector<512x512xi32>
      %add3A_57 = arith.addi %add3A_56, %iota3A_7 : vector<512x512xi32>
      %ge3A = arith.cmpi sge, %add3A_53, %add3A_57 : vector<512x512xi32>
      %jit3A = arith.constant -1.000000e+30 : f32
      %broadcast_in_dim3A_58 = vector.broadcast %jit3A : f32 to vector<512x512xf32>
      %select_n3A = arith.select %ge3A, %dot_general3A_49, %broadcast_in_dim3A_58 : vector<512x512xi1>, vector<512x512xf32>
      %reduce_max3A = arith.constant dense<0xFF800000> : vector<512xf32>
      %reduce_max3A_59 = vector.multi_reduction <maximumf>, %select_n3A, %reduce_max3A [1] : vector<512x512xf32> to vector<512xf32>
      %broadcast_in_dim3A_60 = vector.shape_cast %reduce_max3A_59 : vector<512xf32> to vector<512x1xf32>
      %max3A = arith.maximumf %while3A_32, %broadcast_in_dim3A_60 : vector<512x1xf32>
      %sub3A = vector.broadcast %max3A : vector<512x1xf32> to vector<512x512xf32>
      %sub3A_61 = arith.subf %select_n3A, %sub3A : vector<512x512xf32>
      %exp3A = math.exp %sub3A_61 : vector<512x512xf32>
      %sub3A_62 = arith.subf %while3A_32, %max3A : vector<512x1xf32>
      %exp3A_63 = math.exp %sub3A_62 : vector<512x1xf32>
      %mul3A_64 = arith.mulf %while3A_33, %exp3A_63 : vector<512x1xf32>
      %reduce_sum3A = arith.constant dense<0.000000e+00> : vector<512xf32>
      %reduce_sum3A_65 = vector.multi_reduction <add>, %exp3A, %reduce_sum3A [1] : vector<512x512xf32> to vector<512xf32>
      %broadcast_in_dim3A_66 = vector.shape_cast %reduce_sum3A_65 : vector<512xf32> to vector<512x1xf32>
      %add3A_67 = arith.addf %mul3A_64, %broadcast_in_dim3A_66 : vector<512x1xf32>
      %mul3A_68 = vector.broadcast %exp3A_63 : vector<512x1xf32> to vector<512x64xf32>
      %mul3A_69 = arith.mulf %while3A_34, %mul3A_68 : vector<512x64xf32>
      %convert_element_type3A = arith.truncf %exp3A : vector<512x512xf32> to vector<512x512xbf16>
      %dot_general3A_70 = arith.constant dense<0.000000e+00> : vector<512x64xf32>
      %dot_general3A_71 = tpu.matmul %convert_element_type3A, %get3A_48, %dot_general3A_70 {dimension_numbers = #tpu.dot_dimension_numbers<[1], [0], [0], [1], [0, 0, 1, 1], [], []>, transpose_lhs_hint = false} : vector<512x512xbf16>, vector<512x64xbf16>, vector<512x64xf32> -> vector<512x64xf32>
      %add3A_72 = arith.addf %mul3A_69, %dot_general3A_71 : vector<512x64xf32>
      scf.yield %max3A, %add3A_67, %add3A_72 : vector<512x1xf32>, vector<512x1xf32>, vector<512x64xf32>
    }
    %while3A_22 = arith.constant 1 : i32
    %while3A_23:3 = scf.for %while3A_31 = %while3A_19 to %while3A_15 step %while3A_22 iter_args(%while3A_32 = %while3A_21#0, %while3A_33 = %while3A_21#1, %while3A_34 = %while3A_21#2) -> (vector<512x1xf32>, vector<512x1xf32>, vector<512x64xf32>)  : i32 {
      %mul3A_35 = arith.constant 512 : i32
      %mul3A_36 = arith.muli %while3A_31, %mul3A_35 : i32
      %get3A_37 = arith.constant 0 : index
      %get3A_38 = arith.index_cast %mul3A_36 : i32 to index
      %get3A_39 = arith.constant 0 : index
      %get3A_40 = vector.load %arg4[%get3A_37, %get3A_38, %get3A_39] : memref<1x2048x64xbf16, #tpu.memory_space<vmem>>, vector<1x512x64xbf16>
      %get3A_41 = vector.shape_cast %get3A_40 : vector<1x512x64xbf16> to vector<512x64xbf16>
      %mul3A_42 = arith.constant 512 : i32
      %mul3A_43 = arith.muli %while3A_31, %mul3A_42 : i32
      %get3A_44 = arith.constant 0 : index
      %get3A_45 = arith.index_cast %mul3A_43 : i32 to index
      %get3A_46 = arith.constant 0 : index
      %get3A_47 = vector.load %arg5[%get3A_44, %get3A_45, %get3A_46] : memref<1x2048x64xbf16, #tpu.memory_space<vmem>>, vector<1x512x64xbf16>
      %get3A_48 = vector.shape_cast %get3A_47 : vector<1x512x64xbf16> to vector<512x64xbf16>
      %dot_general3A = arith.constant dense<0.000000e+00> : vector<512x512xf32>
      %dot_general3A_49 = tpu.matmul %mul3A_6, %get3A_41, %dot_general3A {dimension_numbers = #tpu.dot_dimension_numbers<[1], [1], [0], [0], [0, 0, 1, 0], [], []>, transpose_lhs_hint = false} : vector<512x64xbf16>, vector<512x64xbf16>, vector<512x512xf32> -> vector<512x512xf32>
      %mul3A_50 = arith.constant 512 : i32
      %mul3A_51 = arith.muli %arg2, %mul3A_50 : i32
      %add3A_52 = vector.broadcast %mul3A_51 : i32 to vector<512x512xi32>
      %add3A_53 = arith.addi %add3A_52, %iota3A : vector<512x512xi32>
      %mul3A_54 = arith.constant 512 : i32
      %mul3A_55 = arith.muli %while3A_31, %mul3A_54 : i32
      %add3A_56 = vector.broadcast %mul3A_55 : i32 to vector<512x512xi32>
      %add3A_57 = arith.addi %add3A_56, %iota3A_7 : vector<512x512xi32>
      %ge3A = arith.cmpi sge, %add3A_53, %add3A_57 : vector<512x512xi32>
      %jit3A = arith.constant -1.000000e+30 : f32
      %broadcast_in_dim3A_58 = vector.broadcast %jit3A : f32 to vector<512x512xf32>
      %select_n3A = arith.select %ge3A, %dot_general3A_49, %broadcast_in_dim3A_58 : vector<512x512xi1>, vector<512x512xf32>
      %reduce_max3A = arith.constant dense<0xFF800000> : vector<512xf32>
      %reduce_max3A_59 = vector.multi_reduction <maximumf>, %select_n3A, %reduce_max3A [1] : vector<512x512xf32> to vector<512xf32>
      %broadcast_in_dim3A_60 = vector.shape_cast %reduce_max3A_59 : vector<512xf32> to vector<512x1xf32>
      %max3A = arith.maximumf %while3A_32, %broadcast_in_dim3A_60 : vector<512x1xf32>
      %sub3A = vector.broadcast %max3A : vector<512x1xf32> to vector<512x512xf32>
      %sub3A_61 = arith.subf %select_n3A, %sub3A : vector<512x512xf32>
      %exp3A = math.exp %sub3A_61 : vector<512x512xf32>
      %sub3A_62 = arith.subf %while3A_32, %max3A : vector<512x1xf32>
      %exp3A_63 = math.exp %sub3A_62 : vector<512x1xf32>
      %mul3A_64 = arith.mulf %while3A_33, %exp3A_63 : vector<512x1xf32>
      %reduce_sum3A = arith.constant dense<0.000000e+00> : vector<512xf32>
      %reduce_sum3A_65 = vector.multi_reduction <add>, %exp3A, %reduce_sum3A [1] : vector<512x512xf32> to vector<512xf32>
      %broadcast_in_dim3A_66 = vector.shape_cast %reduce_sum3A_65 : vector<512xf32> to vector<512x1xf32>
      %add3A_67 = arith.addf %mul3A_64, %broadcast_in_dim3A_66 : vector<512x1xf32>
      %mul3A_68 = vector.broadcast %exp3A_63 : vector<512x1xf32> to vector<512x64xf32>
      %mul3A_69 = arith.mulf %while3A_34, %mul3A_68 : vector<512x64xf32>
      %convert_element_type3A = arith.truncf %exp3A : vector<512x512xf32> to vector<512x512xbf16>
      %dot_general3A_70 = arith.constant dense<0.000000e+00> : vector<512x64xf32>
      %dot_general3A_71 = tpu.matmul %convert_element_type3A, %get3A_48, %dot_general3A_70 {dimension_numbers = #tpu.dot_dimension_numbers<[1], [0], [0], [1], [0, 0, 1, 1], [], []>, transpose_lhs_hint = false} : vector<512x512xbf16>, vector<512x64xbf16>, vector<512x64xf32> -> vector<512x64xf32>
      %add3A_72 = arith.addf %mul3A_69, %dot_general3A_71 : vector<512x64xf32>
      scf.yield %max3A, %add3A_67, %add3A_72 : vector<512x1xf32>, vector<512x1xf32>, vector<512x64xf32>
    }
    %div3A = vector.broadcast %while3A_23#1 : vector<512x1xf32> to vector<512x64xf32>
    %div3A_24 = arith.divf %while3A_23#2, %div3A : vector<512x64xf32>
    %swap3A = arith.constant 0 : index
    %swap3A_25 = arith.constant 0 : index
    %swap3A_26 = arith.constant 0 : index
    %swap3A_27 = arith.constant 0 : index
    %swap3A_28 = vector.load %arg6[%swap3A, %swap3A_25, %swap3A_26, %swap3A_27] : memref<1x1x512x64xf32, #tpu.memory_space<vmem>>, vector<1x1x512x64xf32>
    %swap3A_29 = vector.shape_cast %swap3A_28 : vector<1x1x512x64xf32> to vector<512x64xf32>
    %swap3A_30 = vector.shape_cast %div3A_24 : vector<512x64xf32> to vector<1x1x512x64xf32>
    tpu.vector_store %arg6[%swap3A, %swap3A_25, %swap3A_26, %swap3A_27], %swap3A_30 {strides = array<i32>} : memref<1x1x512x64xf32, #tpu.memory_space<vmem>>, vector<1x1x512x64xf32>,
    return
  }
  func.func @transform_0(%arg0: i32, %arg1: i32, %arg2: i32) -> (i32, i32, i32, i32) {
    %c0_i32 = arith.constant 0 : i32
    %c0_i32_0 = arith.constant 0 : i32
    return %arg0, %arg1, %arg2, %c0_i32 : i32, i32, i32, i32
  }
  func.func @transform_1(%arg0: i32, %arg1: i32, %arg2: i32) -> (i32, i32, i32) {
    %c0_i32 = arith.constant 0 : i32
    %c0_i32_0 = arith.constant 0 : i32
    %c0_i32_1 = arith.constant 0 : i32
    return %arg0, %c0_i32, %c0_i32_0 : i32, i32, i32
  }
  func.func @transform_2(%arg0: i32, %arg1: i32, %arg2: i32) -> (i32, i32, i32) {
    %c0_i32 = arith.constant 0 : i32
    %c0_i32_0 = arith.constant 0 : i32
    %c0_i32_1 = arith.constant 0 : i32
    return %arg0, %c0_i32, %c0_i32_0 : i32, i32, i32
  }
  func.func @transform_3(%arg0: i32, %arg1: i32, %arg2: i32) -> (i32, i32, i32, i32) {
    %c0_i32 = arith.constant 0 : i32
    %c0_i32_0 = arith.constant 0 : i32
    return %arg0, %arg1, %arg2, %c0_i32 : i32, i32, i32, i32
  }
}

module attributes {stable_mosaic.version = 14 : i64} {
  func.func @_proj_router_body(%arg0: i32, %arg1: memref<256x1024xf32, #tpu.memory_space<vmem>>, %arg2: memref<256x1024xf32, #tpu.memory_space<vmem>>, %arg3: memref<1024x1024xf32, #tpu.memory_space<vmem>>, %arg4: memref<1x1024xf32, #tpu.memory_space<vmem>>, %arg5: memref<64x1024xf32, #tpu.memory_space<vmem>>, %arg6: memref<684x1024xf32, #tpu.memory_space<vmem>>, %arg7: memref<1024x684xf32, #tpu.memory_space<vmem>>, %arg8: memref<684x1024xf32, #tpu.memory_space<vmem>>, %arg9: memref<256x1024xf32, #tpu.memory_space<vmem>>, %arg10: memref<256x1024xf32, #tpu.memory_space<vmem>>, %arg11: memref<1x1x256xi32, #tpu.memory_space<vmem>>, %arg12: memref<256x128xf32, #tpu.memory_space<vmem>>, %arg13: memref<1x1x256xi32, #tpu.memory_space<vmem>>, %arg14: memref<1x64xf32, #tpu.memory_space<vmem>>, %arg15: memref<1x1xf32, #tpu.memory_space<vmem>>, %arg16: memref<1x64xf32, #tpu.memory_space<vmem>>, %arg17: memref<1x64xf32, #tpu.memory_space<vmem>>) attributes {dimension_semantics = [#tpu.dimension_semantics<arbitrary>], iteration_bounds = array<i64: 8>, scalar_prefetch = 0 : i64, scratch_operands = 2 : i64, tpu.core_type = #tpu.core_type<tc>, window_params = [{transform_indices = @transform_0, window_bounds = array<i64: 256, 1024>}, {transform_indices = @transform_1, window_bounds = array<i64: 256, 1024>}, {pipeline_mode = #tpu.pipeline_mode<synchronous>, transform_indices = @transform_2, window_bounds = array<i64: 1024, 1024>}, {pipeline_mode = #tpu.pipeline_mode<synchronous>, transform_indices = @transform_3, window_bounds = array<i64: 1, 1024>}, {pipeline_mode = #tpu.pipeline_mode<synchronous>, transform_indices = @transform_4, window_bounds = array<i64: 64, 1024>}, {pipeline_mode = #tpu.pipeline_mode<synchronous>, transform_indices = @transform_5, window_bounds = array<i64: 684, 1024>}, {pipeline_mode = #tpu.pipeline_mode<synchronous>, transform_indices = @transform_6, window_bounds = array<i64: 1024, 684>}, {pipeline_mode = #tpu.pipeline_mode<synchronous>, transform_indices = @transform_7, window_bounds = array<i64: 684, 1024>}, {transform_indices = @transform_8, window_bounds = array<i64: 256, 1024>}, {transform_indices = @transform_9, window_bounds = array<i64: 256, 1024>}, {transform_indices = @transform_10, window_bounds = array<i64: 1, 1, 256>}, {transform_indices = @transform_11, window_bounds = array<i64: 256, 128>}, {transform_indices = @transform_12, window_bounds = array<i64: 1, 1, 256>}, {pipeline_mode = #tpu.pipeline_mode<synchronous>, transform_indices = @transform_13, window_bounds = array<i64: 1, 64>}, {pipeline_mode = #tpu.pipeline_mode<synchronous>, transform_indices = @transform_14, window_bounds = array<i64: 1, 1>}]} {
    %eq3A = arith.constant 0 : i32
    %eq3A_0 = arith.cmpi eq, %arg0, %eq3A : i32
    %convert_element_type3A = arith.extui %eq3A_0 : i1 to i32
    %cond3A = arith.constant 0 : i32
    %cond3A_1 = arith.cmpi ne, %convert_element_type3A, %cond3A : i32
    scf.if %cond3A_1 {
      %broadcast_in_dim3A_141 = arith.constant 0.000000e+00 : f32
      %broadcast_in_dim3A_142 = vector.broadcast %broadcast_in_dim3A_141 : f32 to vector<1x64xf32>
      %swap3A_143 = arith.constant 0 : index
      %swap3A_144 = arith.constant 0 : index
      %swap3A_145 = vector.load %arg16[%swap3A_143, %swap3A_144] : memref<1x64xf32, #tpu.memory_space<vmem>>, vector<1x64xf32>
      tpu.vector_store %arg16[%swap3A_143, %swap3A_144], %broadcast_in_dim3A_142 {strides = array<i32>} : memref<1x64xf32, #tpu.memory_space<vmem>>, vector<1x64xf32>,
      %broadcast_in_dim3A_146 = arith.constant 0.000000e+00 : f32
      %broadcast_in_dim3A_147 = vector.broadcast %broadcast_in_dim3A_146 : f32 to vector<1x64xf32>
      %swap3A_148 = arith.constant 0 : index
      %swap3A_149 = arith.constant 0 : index
      %swap3A_150 = vector.load %arg17[%swap3A_148, %swap3A_149] : memref<1x64xf32, #tpu.memory_space<vmem>>, vector<1x64xf32>
      tpu.vector_store %arg17[%swap3A_148, %swap3A_149], %broadcast_in_dim3A_147 {strides = array<i32>} : memref<1x64xf32, #tpu.memory_space<vmem>>, vector<1x64xf32>,
    } else {
    }
    %get3A = arith.constant 0 : index
    %get3A_2 = arith.constant 0 : index
    %get3A_3 = vector.load %arg1[%get3A, %get3A_2] : memref<256x1024xf32, #tpu.memory_space<vmem>>, vector<256x1024xf32>
    %convert_element_type3A_4 = arith.truncf %get3A_3 : vector<256x1024xf32> to vector<256x1024xbf16>
    %get3A_5 = arith.constant 0 : index
    %get3A_6 = arith.constant 0 : index
    %get3A_7 = vector.load %arg3[%get3A_5, %get3A_6] : memref<1024x1024xf32, #tpu.memory_space<vmem>>, vector<1024x1024xf32>
    %convert_element_type3A_8 = arith.truncf %get3A_7 : vector<1024x1024xf32> to vector<1024x1024xbf16>
    %dot_general3A = arith.constant dense<0.000000e+00> : vector<256x1024xf32>
    %dot_general3A_9 = tpu.matmul %convert_element_type3A_4, %convert_element_type3A_8, %dot_general3A {dimension_numbers = #tpu.dot_dimension_numbers<[1], [1], [0], [0], [0, 0, 1, 0], [], []>, transpose_lhs_hint = false} : vector<256x1024xbf16>, vector<1024x1024xbf16>, vector<256x1024xf32> -> vector<256x1024xf32>
    %get3A_10 = arith.constant 0 : index
    %get3A_11 = arith.constant 0 : index
    %get3A_12 = vector.load %arg2[%get3A_10, %get3A_11] : memref<256x1024xf32, #tpu.memory_space<vmem>>, vector<256x1024xf32>
    %add3A = arith.addf %get3A_12, %dot_general3A_9 : vector<256x1024xf32>
    %mul3A = arith.mulf %add3A, %add3A : vector<256x1024xf32>
    %reduce_sum3A = arith.constant dense<0.000000e+00> : vector<256xf32>
    %reduce_sum3A_13 = vector.multi_reduction <add>, %mul3A, %reduce_sum3A [1] : vector<256x1024xf32> to vector<256xf32>
    %broadcast_in_dim3A = vector.shape_cast %reduce_sum3A_13 : vector<256xf32> to vector<256x1xf32>
    %div3A = arith.constant 1.024000e+03 : f32
    %div3A_14 = vector.broadcast %div3A : f32 to vector<256x1xf32>
    %div3A_15 = arith.divf %broadcast_in_dim3A, %div3A_14 : vector<256x1xf32>
    %add3A_16 = arith.constant 9.99999997E-7 : f32
    %add3A_17 = vector.broadcast %add3A_16 : f32 to vector<256x1xf32>
    %add3A_18 = arith.addf %div3A_15, %add3A_17 : vector<256x1xf32>
    %rsqrt3A = math.rsqrt %add3A_18 : vector<256x1xf32>
    %mul3A_19 = vector.broadcast %rsqrt3A : vector<256x1xf32> to vector<256x1024xf32>
    %mul3A_20 = arith.mulf %add3A, %mul3A_19 : vector<256x1024xf32>
    %get3A_21 = arith.constant 0 : index
    %get3A_22 = arith.constant 0 : index
    %get3A_23 = vector.load %arg4[%get3A_21, %get3A_22] : memref<1x1024xf32, #tpu.memory_space<vmem>>, vector<1x1024xf32>
    %mul3A_24 = vector.broadcast %get3A_23 : vector<1x1024xf32> to vector<256x1024xf32>
    %mul3A_25 = arith.mulf %mul3A_20, %mul3A_24 : vector<256x1024xf32>
    %swap3A = arith.constant 0 : index
    %swap3A_26 = arith.constant 0 : index
    %swap3A_27 = vector.load %arg10[%swap3A, %swap3A_26] : memref<256x1024xf32, #tpu.memory_space<vmem>>, vector<256x1024xf32>
    tpu.vector_store %arg10[%swap3A, %swap3A_26], %mul3A_25 {strides = array<i32>} : memref<256x1024xf32, #tpu.memory_space<vmem>>, vector<256x1024xf32>,
    %convert_element_type3A_28 = arith.truncf %mul3A_25 : vector<256x1024xf32> to vector<256x1024xbf16>
    %get3A_29 = arith.constant 0 : index
    %get3A_30 = arith.constant 0 : index
    %get3A_31 = vector.load %arg6[%get3A_29, %get3A_30] : memref<684x1024xf32, #tpu.memory_space<vmem>>, vector<684x1024xf32>
    %convert_element_type3A_32 = arith.truncf %get3A_31 : vector<684x1024xf32> to vector<684x1024xbf16>
    %dot_general3A_33 = arith.constant dense<0.000000e+00> : vector<256x684xf32>
    %dot_general3A_34 = tpu.matmul %convert_element_type3A_28, %convert_element_type3A_32, %dot_general3A_33 {dimension_numbers = #tpu.dot_dimension_numbers<[1], [1], [0], [0], [0, 0, 1, 0], [], []>, transpose_lhs_hint = false} : vector<256x1024xbf16>, vector<684x1024xbf16>, vector<256x684xf32> -> vector<256x684xf32>
    %get3A_35 = arith.constant 0 : index
    %get3A_36 = arith.constant 0 : index
    %get3A_37 = vector.load %arg8[%get3A_35, %get3A_36] : memref<684x1024xf32, #tpu.memory_space<vmem>>, vector<684x1024xf32>
    %convert_element_type3A_38 = arith.truncf %get3A_37 : vector<684x1024xf32> to vector<684x1024xbf16>
    %dot_general3A_39 = arith.constant dense<0.000000e+00> : vector<256x684xf32>
    %dot_general3A_40 = tpu.matmul %convert_element_type3A_28, %convert_element_type3A_38, %dot_general3A_39 {dimension_numbers = #tpu.dot_dimension_numbers<[1], [1], [0], [0], [0, 0, 1, 0], [], []>, transpose_lhs_hint = false} : vector<256x1024xbf16>, vector<684x1024xbf16>, vector<256x684xf32> -> vector<256x684xf32>
    %neg3A = arith.constant 0.000000e+00 : f32
    %neg3A_41 = vector.broadcast %neg3A : f32 to vector<256x684xf32>
    %neg3A_42 = arith.subf %neg3A_41, %dot_general3A_34 : vector<256x684xf32>
    %exp3A = math.exp %neg3A_42 : vector<256x684xf32>
    %add3A_43 = arith.constant 1.000000e+00 : f32
    %add3A_44 = vector.broadcast %add3A_43 : f32 to vector<256x684xf32>
    %add3A_45 = arith.addf %add3A_44, %exp3A : vector<256x684xf32>
    %div3A_46 = arith.divf %dot_general3A_34, %add3A_45 : vector<256x684xf32>
    %mul3A_47 = arith.mulf %div3A_46, %dot_general3A_40 : vector<256x684xf32>
    %convert_element_type3A_48 = arith.truncf %mul3A_47 : vector<256x684xf32> to vector<256x684xbf16>
    %get3A_49 = arith.constant 0 : index
    %get3A_50 = arith.constant 0 : index
    %get3A_51 = vector.load %arg7[%get3A_49, %get3A_50] : memref<1024x684xf32, #tpu.memory_space<vmem>>, vector<1024x684xf32>
    %convert_element_type3A_52 = arith.truncf %get3A_51 : vector<1024x684xf32> to vector<1024x684xbf16>
    %dot_general3A_53 = arith.constant dense<0.000000e+00> : vector<256x1024xf32>
    %dot_general3A_54 = tpu.matmul %convert_element_type3A_48, %convert_element_type3A_52, %dot_general3A_53 {dimension_numbers = #tpu.dot_dimension_numbers<[1], [1], [0], [0], [0, 0, 1, 0], [], []>, transpose_lhs_hint = false} : vector<256x684xbf16>, vector<1024x684xbf16>, vector<256x1024xf32> -> vector<256x1024xf32>
    %add3A_55 = arith.addf %add3A, %dot_general3A_54 : vector<256x1024xf32>
    %swap3A_56 = arith.constant 0 : index
    %swap3A_57 = arith.constant 0 : index
    %swap3A_58 = vector.load %arg9[%swap3A_56, %swap3A_57] : memref<256x1024xf32, #tpu.memory_space<vmem>>, vector<256x1024xf32>
    tpu.vector_store %arg9[%swap3A_56, %swap3A_57], %add3A_55 {strides = array<i32>} : memref<256x1024xf32, #tpu.memory_space<vmem>>, vector<256x1024xf32>,
    %get3A_59 = arith.constant 0 : index
    %get3A_60 = arith.constant 0 : index
    %get3A_61 = vector.load %arg5[%get3A_59, %get3A_60] : memref<64x1024xf32, #tpu.memory_space<vmem>>, vector<64x1024xf32>
    %dot_general3A_62 = arith.constant dense<0.000000e+00> : vector<256x64xf32>
    %dot_general3A_63 = tpu.matmul %mul3A_25, %get3A_61, %dot_general3A_62 {dimension_numbers = #tpu.dot_dimension_numbers<[1], [1], [0], [0], [0, 0, 1, 0], [], []>, transpose_lhs_hint = false} : vector<256x1024xf32>, vector<64x1024xf32>, vector<256x64xf32> -> vector<256x64xf32>
    %reduce_max3A = arith.constant dense<0xFF800000> : vector<256xf32>
    %reduce_max3A_64 = vector.multi_reduction <maximumf>, %dot_general3A_63, %reduce_max3A [1] : vector<256x64xf32> to vector<256xf32>
    %broadcast_in_dim3A_65 = vector.shape_cast %reduce_max3A_64 : vector<256xf32> to vector<256x1xf32>
    %sub3A = vector.broadcast %broadcast_in_dim3A_65 : vector<256x1xf32> to vector<256x64xf32>
    %sub3A_66 = arith.subf %dot_general3A_63, %sub3A : vector<256x64xf32>
    %exp3A_67 = math.exp %sub3A_66 : vector<256x64xf32>
    %reduce_sum3A_68 = arith.constant dense<0.000000e+00> : vector<256xf32>
    %reduce_sum3A_69 = vector.multi_reduction <add>, %exp3A_67, %reduce_sum3A_68 [1] : vector<256x64xf32> to vector<256xf32>
    %broadcast_in_dim3A_70 = vector.shape_cast %reduce_sum3A_69 : vector<256xf32> to vector<256x1xf32>
    %div3A_71 = vector.broadcast %broadcast_in_dim3A_70 : vector<256x1xf32> to vector<256x64xf32>
    %div3A_72 = arith.divf %exp3A_67, %div3A_71 : vector<256x64xf32>
    %iota3A = tpu.iota {dimensions = array<i32: 1>} : vector<256x64xi32>
    %ge3A = vector.broadcast %broadcast_in_dim3A_65 : vector<256x1xf32> to vector<256x64xf32>
    %ge3A_73 = arith.cmpf oge, %dot_general3A_63, %ge3A : vector<256x64xf32>
    %jit3A = arith.constant 64 : i32
    %broadcast_in_dim3A_74 = vector.broadcast %jit3A : i32 to vector<256x64xi32>
    %select_n3A = arith.select %ge3A_73, %iota3A, %broadcast_in_dim3A_74 : vector<256x64xi1>, vector<256x64xi32>
    %reduce_min3A = arith.constant dense<2147483647> : vector<256xi32>
    %reduce_min3A_75 = vector.multi_reduction <minsi>, %select_n3A, %reduce_min3A [1] : vector<256x64xi32> to vector<256xi32>
    %broadcast_in_dim3A_76 = vector.shape_cast %reduce_min3A_75 : vector<256xi32> to vector<256x1xi32>
    %eq3A_77 = vector.broadcast %broadcast_in_dim3A_76 : vector<256x1xi32> to vector<256x64xi32>
    %eq3A_78 = arith.cmpi eq, %iota3A, %eq3A_77 : vector<256x64xi32>
    %convert_element_type3A_79 = arith.extui %eq3A_78 : vector<256x64xi1> to vector<256x64xi32>
    %convert_element_type3A_80 = arith.sitofp %convert_element_type3A_79 : vector<256x64xi32> to vector<256x64xf32>
    %iota3A_81 = tpu.iota {dimensions = array<i32: 0>} : vector<256x256xi32>
    %iota3A_82 = tpu.iota {dimensions = array<i32: 1>} : vector<256x256xi32>
    %gt3A = arith.cmpi sgt, %iota3A_81, %iota3A_82 : vector<256x256xi32>
    %convert_element_type3A_83 = arith.extui %gt3A : vector<256x256xi1> to vector<256x256xi32>
    %convert_element_type3A_84 = arith.sitofp %convert_element_type3A_83 : vector<256x256xi32> to vector<256x256xf32>
    %dot_general3A_85 = arith.constant dense<0.000000e+00> : vector<256x64xf32>
    %dot_general3A_86 = tpu.matmul %convert_element_type3A_84, %convert_element_type3A_80, %dot_general3A_85 {dimension_numbers = #tpu.dot_dimension_numbers<[1], [0], [0], [1], [0, 0, 1, 1], [], []>, transpose_lhs_hint = false} : vector<256x256xf32>, vector<256x64xf32>, vector<256x64xf32> -> vector<256x64xf32>
    %get3A_87 = arith.constant 0 : index
    %get3A_88 = arith.constant 0 : index
    %get3A_89 = vector.load %arg16[%get3A_87, %get3A_88] : memref<1x64xf32, #tpu.memory_space<vmem>>, vector<1x64xf32>
    %add3A_90 = vector.broadcast %get3A_89 : vector<1x64xf32> to vector<256x64xf32>
    %add3A_91 = arith.addf %dot_general3A_86, %add3A_90 : vector<256x64xf32>
    %mul3A_92 = arith.mulf %add3A_91, %convert_element_type3A_80 : vector<256x64xf32>
    %reduce_sum3A_93 = arith.constant dense<0.000000e+00> : vector<256xf32>
    %reduce_sum3A_94 = vector.multi_reduction <add>, %mul3A_92, %reduce_sum3A_93 [1] : vector<256x64xf32> to vector<256xf32>
    %swap3A_95 = arith.constant 0 : index
    %swap3A_96 = arith.constant 0 : index
    %swap3A_97 = arith.constant 0 : index
    %swap3A_98 = vector.load %arg11[%swap3A_95, %swap3A_96, %swap3A_97] : memref<1x1x256xi32, #tpu.memory_space<vmem>>, vector<1x1x256xi32>
    %swap3A_99 = vector.shape_cast %swap3A_98 : vector<1x1x256xi32> to vector<256xi32>
    %swap3A_100 = vector.shape_cast %reduce_min3A_75 : vector<256xi32> to vector<1x1x256xi32>
    tpu.vector_store %arg11[%swap3A_95, %swap3A_96, %swap3A_97], %swap3A_100 {strides = array<i32>} : memref<1x1x256xi32, #tpu.memory_space<vmem>>, vector<1x1x256xi32>,
    %convert_element_type3A_101 = arith.fptosi %reduce_sum3A_94 : vector<256xf32> to vector<256xi32>
    %swap3A_102 = arith.constant 0 : index
    %swap3A_103 = arith.constant 0 : index
    %swap3A_104 = arith.constant 0 : index
    %swap3A_105 = vector.load %arg13[%swap3A_102, %swap3A_103, %swap3A_104] : memref<1x1x256xi32, #tpu.memory_space<vmem>>, vector<1x1x256xi32>
    %swap3A_106 = vector.shape_cast %swap3A_105 : vector<1x1x256xi32> to vector<256xi32>
    %swap3A_107 = vector.shape_cast %convert_element_type3A_101 : vector<256xi32> to vector<1x1x256xi32>
    tpu.vector_store %arg13[%swap3A_102, %swap3A_103, %swap3A_104], %swap3A_107 {strides = array<i32>} : memref<1x1x256xi32, #tpu.memory_space<vmem>>, vector<1x1x256xi32>,
    %div3A_108 = arith.constant 1.000000e+00 : f32
    %div3A_109 = vector.broadcast %div3A_108 : f32 to vector<256x1xf32>
    %div3A_110 = arith.divf %div3A_109, %broadcast_in_dim3A_70 : vector<256x1xf32>
    %broadcast_in_dim3A_111 = vector.shape_cast %div3A_110 : vector<256x1xf32> to vector<256x1xf32>
    %broadcast_in_dim3A_112 = vector.broadcast %broadcast_in_dim3A_111 : vector<256x1xf32> to vector<256x128xf32>
    %swap3A_113 = arith.constant 0 : index
    %swap3A_114 = arith.constant 0 : index
    %swap3A_115 = vector.load %arg12[%swap3A_113, %swap3A_114] : memref<256x128xf32, #tpu.memory_space<vmem>>, vector<256x128xf32>
    tpu.vector_store %arg12[%swap3A_113, %swap3A_114], %broadcast_in_dim3A_112 {strides = array<i32>} : memref<256x128xf32, #tpu.memory_space<vmem>>, vector<256x128xf32>,
    %get3A_116 = arith.constant 0 : index
    %get3A_117 = arith.constant 0 : index
    %get3A_118 = vector.load %arg16[%get3A_116, %get3A_117] : memref<1x64xf32, #tpu.memory_space<vmem>>, vector<1x64xf32>
    %reduce_sum3A_119 = arith.constant dense<0.000000e+00> : vector<64xf32>
    %reduce_sum3A_120 = vector.multi_reduction <add>, %convert_element_type3A_80, %reduce_sum3A_119 [0] : vector<256x64xf32> to vector<64xf32>
    %broadcast_in_dim3A_121 = vector.shape_cast %reduce_sum3A_120 : vector<64xf32> to vector<1x64xf32>
    %add3A_122 = arith.addf %get3A_118, %broadcast_in_dim3A_121 : vector<1x64xf32>
    %swap3A_123 = arith.constant 0 : index
    %swap3A_124 = arith.constant 0 : index
    %swap3A_125 = vector.load %arg16[%swap3A_123, %swap3A_124] : memref<1x64xf32, #tpu.memory_space<vmem>>, vector<1x64xf32>
    tpu.vector_store %arg16[%swap3A_123, %swap3A_124], %add3A_122 {strides = array<i32>} : memref<1x64xf32, #tpu.memory_space<vmem>>, vector<1x64xf32>,
    %get3A_126 = arith.constant 0 : index
    %get3A_127 = arith.constant 0 : index
    %get3A_128 = vector.load %arg17[%get3A_126, %get3A_127] : memref<1x64xf32, #tpu.memory_space<vmem>>, vector<1x64xf32>
    %reduce_sum3A_129 = arith.constant dense<0.000000e+00> : vector<64xf32>
    %reduce_sum3A_130 = vector.multi_reduction <add>, %div3A_72, %reduce_sum3A_129 [0] : vector<256x64xf32> to vector<64xf32>
    %broadcast_in_dim3A_131 = vector.shape_cast %reduce_sum3A_130 : vector<64xf32> to vector<1x64xf32>
    %add3A_132 = arith.addf %get3A_128, %broadcast_in_dim3A_131 : vector<1x64xf32>
    %swap3A_133 = arith.constant 0 : index
    %swap3A_134 = arith.constant 0 : index
    %swap3A_135 = vector.load %arg17[%swap3A_133, %swap3A_134] : memref<1x64xf32, #tpu.memory_space<vmem>>, vector<1x64xf32>
    tpu.vector_store %arg17[%swap3A_133, %swap3A_134], %add3A_132 {strides = array<i32>} : memref<1x64xf32, #tpu.memory_space<vmem>>, vector<1x64xf32>,
    %eq3A_136 = arith.constant 7 : i32
    %eq3A_137 = arith.cmpi eq, %arg0, %eq3A_136 : i32
    %convert_element_type3A_138 = arith.extui %eq3A_137 : i1 to i32
    %cond3A_139 = arith.constant 0 : i32
    %cond3A_140 = arith.cmpi ne, %convert_element_type3A_138, %cond3A_139 : i32
    scf.if %cond3A_140 {
      %get3A_141 = arith.constant 0 : index
      %get3A_142 = arith.constant 0 : index
      %get3A_143 = vector.load %arg16[%get3A_141, %get3A_142] : memref<1x64xf32, #tpu.memory_space<vmem>>, vector<1x64xf32>
      %swap3A_144 = arith.constant 0 : index
      %swap3A_145 = arith.constant 0 : index
      %swap3A_146 = vector.load %arg14[%swap3A_144, %swap3A_145] : memref<1x64xf32, #tpu.memory_space<vmem>>, vector<1x64xf32>
      tpu.vector_store %arg14[%swap3A_144, %swap3A_145], %get3A_143 {strides = array<i32>} : memref<1x64xf32, #tpu.memory_space<vmem>>, vector<1x64xf32>,
      %get3A_147 = arith.constant 0 : index
      %get3A_148 = arith.constant 0 : index
      %get3A_149 = vector.load %arg16[%get3A_147, %get3A_148] : memref<1x64xf32, #tpu.memory_space<vmem>>, vector<1x64xf32>
      %get3A_150 = arith.constant 0 : index
      %get3A_151 = arith.constant 0 : index
      %get3A_152 = vector.load %arg17[%get3A_150, %get3A_151] : memref<1x64xf32, #tpu.memory_space<vmem>>, vector<1x64xf32>
      %mul3A_153 = arith.mulf %get3A_149, %get3A_152 : vector<1x64xf32>
      %reduce_sum3A_154 = arith.constant dense<0.000000e+00> : vector<1xf32>
      %reduce_sum3A_155 = vector.multi_reduction <add>, %mul3A_153, %reduce_sum3A_154 [1] : vector<1x64xf32> to vector<1xf32>
      %broadcast_in_dim3A_156 = vector.shape_cast %reduce_sum3A_155 : vector<1xf32> to vector<1x1xf32>
      %mul3A_157 = arith.constant 1.52587887E-7 : f32
      %mul3A_158 = vector.broadcast %mul3A_157 : f32 to vector<1x1xf32>
      %mul3A_159 = arith.mulf %broadcast_in_dim3A_156, %mul3A_158 : vector<1x1xf32>
      %swap3A_160 = arith.constant 0 : index
      %swap3A_161 = arith.constant 0 : index
      %swap3A_162 = vector.load %arg15[%swap3A_160, %swap3A_161] : memref<1x1xf32, #tpu.memory_space<vmem>>, vector<1x1xf32>
      tpu.vector_store %arg15[%swap3A_160, %swap3A_161], %mul3A_159 {strides = array<i32>} : memref<1x1xf32, #tpu.memory_space<vmem>>, vector<1x1xf32>,
    } else {
    }
    return
  }
  func.func @transform_0(%arg0: i32) -> (i32, i32) {
    %c0_i32 = arith.constant 0 : i32
    %c0_i32_0 = arith.constant 0 : i32
    return %arg0, %c0_i32 : i32, i32
  }
  func.func @transform_1(%arg0: i32) -> (i32, i32) {
    %c0_i32 = arith.constant 0 : i32
    %c0_i32_0 = arith.constant 0 : i32
    return %arg0, %c0_i32 : i32, i32
  }
  func.func @transform_2(%arg0: i32) -> (i32, i32) {
    %c0_i32 = arith.constant 0 : i32
    %c0_i32_0 = arith.constant 0 : i32
    %c0_i32_1 = arith.constant 0 : i32
    return %c0_i32, %c0_i32_0 : i32, i32
  }
  func.func @transform_3(%arg0: i32) -> (i32, i32) {
    %c0_i32 = arith.constant 0 : i32
    %c0_i32_0 = arith.constant 0 : i32
    %c0_i32_1 = arith.constant 0 : i32
    return %c0_i32, %c0_i32_0 : i32, i32
  }
  func.func @transform_4(%arg0: i32) -> (i32, i32) {
    %c0_i32 = arith.constant 0 : i32
    %c0_i32_0 = arith.constant 0 : i32
    %c0_i32_1 = arith.constant 0 : i32
    return %c0_i32, %c0_i32_0 : i32, i32
  }
  func.func @transform_5(%arg0: i32) -> (i32, i32) {
    %c0_i32 = arith.constant 0 : i32
    %c0_i32_0 = arith.constant 0 : i32
    %c0_i32_1 = arith.constant 0 : i32
    return %c0_i32, %c0_i32_0 : i32, i32
  }
  func.func @transform_6(%arg0: i32) -> (i32, i32) {
    %c0_i32 = arith.constant 0 : i32
    %c0_i32_0 = arith.constant 0 : i32
    %c0_i32_1 = arith.constant 0 : i32
    return %c0_i32, %c0_i32_0 : i32, i32
  }
  func.func @transform_7(%arg0: i32) -> (i32, i32) {
    %c0_i32 = arith.constant 0 : i32
    %c0_i32_0 = arith.constant 0 : i32
    %c0_i32_1 = arith.constant 0 : i32
    return %c0_i32, %c0_i32_0 : i32, i32
  }
  func.func @transform_8(%arg0: i32) -> (i32, i32) {
    %c0_i32 = arith.constant 0 : i32
    %c0_i32_0 = arith.constant 0 : i32
    return %arg0, %c0_i32 : i32, i32
  }
  func.func @transform_9(%arg0: i32) -> (i32, i32) {
    %c0_i32 = arith.constant 0 : i32
    %c0_i32_0 = arith.constant 0 : i32
    return %arg0, %c0_i32 : i32, i32
  }
  func.func @transform_10(%arg0: i32) -> (i32, i32, i32) {
    %c0_i32 = arith.constant 0 : i32
    %c0_i32_0 = arith.constant 0 : i32
    %c0_i32_1 = arith.constant 0 : i32
    return %arg0, %c0_i32, %c0_i32_0 : i32, i32, i32
  }
  func.func @transform_11(%arg0: i32) -> (i32, i32) {
    %c0_i32 = arith.constant 0 : i32
    %c0_i32_0 = arith.constant 0 : i32
    return %arg0, %c0_i32 : i32, i32
  }
  func.func @transform_12(%arg0: i32) -> (i32, i32, i32) {
    %c0_i32 = arith.constant 0 : i32
    %c0_i32_0 = arith.constant 0 : i32
    %c0_i32_1 = arith.constant 0 : i32
    return %arg0, %c0_i32, %c0_i32_0 : i32, i32, i32
  }
  func.func @transform_13(%arg0: i32) -> (i32, i32) {
    %c0_i32 = arith.constant 0 : i32
    %c0_i32_0 = arith.constant 0 : i32
    %c0_i32_1 = arith.constant 0 : i32
    return %c0_i32, %c0_i32_0 : i32, i32
  }
  func.func @transform_14(%arg0: i32) -> (i32, i32) {
    %c0_i32 = arith.constant 0 : i32
    %c0_i32_0 = arith.constant 0 : i32
    %c0_i32_1 = arith.constant 0 : i32
    return %c0_i32, %c0_i32_0 : i32, i32
  }
}

module attributes {stable_mosaic.version = 14 : i64} {
  func.func @_gmm_body(%arg0: i32, %arg1: memref<80xi32, #tpu.memory_space<smem>>, %arg2: memref<128x1024xf32, #tpu.memory_space<vmem>>, %arg3: memref<1x684x1024xf32, #tpu.memory_space<vmem>>, %arg4: memref<1x684x1024xf32, #tpu.memory_space<vmem>>, %arg5: memref<1x1024x684xf32, #tpu.memory_space<vmem>>, %arg6: memref<128x1024xf32, #tpu.memory_space<vmem>>) attributes {dimension_semantics = [#tpu.dimension_semantics<parallel>], iteration_bounds = array<i64: 80>, scalar_prefetch = 1 : i64, scratch_operands = 0 : i64, tpu.core_type = #tpu.core_type<tc>, window_params = [{transform_indices = @transform_0, window_bounds = array<i64: 128, 1024>}, {pipeline_mode = #tpu.pipeline_mode<double_buffered>, transform_indices = @transform_1, window_bounds = array<i64: 1, 684, 1024>}, {pipeline_mode = #tpu.pipeline_mode<double_buffered>, transform_indices = @transform_2, window_bounds = array<i64: 1, 684, 1024>}, {pipeline_mode = #tpu.pipeline_mode<double_buffered>, transform_indices = @transform_3, window_bounds = array<i64: 1, 1024, 684>}, {transform_indices = @transform_4, window_bounds = array<i64: 128, 1024>}]} {
    %get3A = arith.constant 0 : index
    %get3A_0 = arith.constant 0 : index
    %get3A_1 = vector.load %arg2[%get3A, %get3A_0] : memref<128x1024xf32, #tpu.memory_space<vmem>>, vector<128x1024xf32>
    %transpose3A = tpu.transpose %get3A_1, [1, 0] : vector<128x1024xf32> -> vector<1024x128xf32>
    %convert_element_type3A = arith.truncf %transpose3A : vector<1024x128xf32> to vector<1024x128xbf16>
    %get3A_2 = arith.constant 0 : index
    %get3A_3 = arith.constant 0 : index
    %get3A_4 = arith.constant 0 : index
    %get3A_5 = vector.load %arg3[%get3A_2, %get3A_3, %get3A_4] : memref<1x684x1024xf32, #tpu.memory_space<vmem>>, vector<1x684x1024xf32>
    %get3A_6 = vector.shape_cast %get3A_5 : vector<1x684x1024xf32> to vector<684x1024xf32>
    %convert_element_type3A_7 = arith.truncf %get3A_6 : vector<684x1024xf32> to vector<684x1024xbf16>
    %dot_general3A = arith.constant dense<0.000000e+00> : vector<684x128xf32>
    %dot_general3A_8 = tpu.matmul %convert_element_type3A_7, %convert_element_type3A, %dot_general3A {dimension_numbers = #tpu.dot_dimension_numbers<[1], [0], [0], [1], [0, 0, 1, 1], [], []>, transpose_lhs_hint = false} : vector<684x1024xbf16>, vector<1024x128xbf16>, vector<684x128xf32> -> vector<684x128xf32>
    %get3A_9 = arith.constant 0 : index
    %get3A_10 = arith.constant 0 : index
    %get3A_11 = arith.constant 0 : index
    %get3A_12 = vector.load %arg4[%get3A_9, %get3A_10, %get3A_11] : memref<1x684x1024xf32, #tpu.memory_space<vmem>>, vector<1x684x1024xf32>
    %get3A_13 = vector.shape_cast %get3A_12 : vector<1x684x1024xf32> to vector<684x1024xf32>
    %convert_element_type3A_14 = arith.truncf %get3A_13 : vector<684x1024xf32> to vector<684x1024xbf16>
    %dot_general3A_15 = arith.constant dense<0.000000e+00> : vector<684x128xf32>
    %dot_general3A_16 = tpu.matmul %convert_element_type3A_14, %convert_element_type3A, %dot_general3A_15 {dimension_numbers = #tpu.dot_dimension_numbers<[1], [0], [0], [1], [0, 0, 1, 1], [], []>, transpose_lhs_hint = false} : vector<684x1024xbf16>, vector<1024x128xbf16>, vector<684x128xf32> -> vector<684x128xf32>
    %neg3A = arith.constant 0.000000e+00 : f32
    %neg3A_17 = vector.broadcast %neg3A : f32 to vector<684x128xf32>
    %neg3A_18 = arith.subf %neg3A_17, %dot_general3A_8 : vector<684x128xf32>
    %exp3A = math.exp %neg3A_18 : vector<684x128xf32>
    %add3A = arith.constant 1.000000e+00 : f32
    %add3A_19 = vector.broadcast %add3A : f32 to vector<684x128xf32>
    %add3A_20 = arith.addf %add3A_19, %exp3A : vector<684x128xf32>
    %div3A = arith.divf %dot_general3A_8, %add3A_20 : vector<684x128xf32>
    %mul3A = arith.mulf %div3A, %dot_general3A_16 : vector<684x128xf32>
    %get3A_21 = arith.constant 0 : index
    %get3A_22 = arith.constant 0 : index
    %get3A_23 = arith.constant 0 : index
    %get3A_24 = vector.load %arg5[%get3A_21, %get3A_22, %get3A_23] : memref<1x1024x684xf32, #tpu.memory_space<vmem>>, vector<1x1024x684xf32>
    %get3A_25 = vector.shape_cast %get3A_24 : vector<1x1024x684xf32> to vector<1024x684xf32>
    %convert_element_type3A_26 = arith.truncf %get3A_25 : vector<1024x684xf32> to vector<1024x684xbf16>
    %convert_element_type3A_27 = arith.truncf %mul3A : vector<684x128xf32> to vector<684x128xbf16>
    %dot_general3A_28 = arith.constant dense<0.000000e+00> : vector<1024x128xf32>
    %dot_general3A_29 = tpu.matmul %convert_element_type3A_26, %convert_element_type3A_27, %dot_general3A_28 {dimension_numbers = #tpu.dot_dimension_numbers<[1], [0], [0], [1], [0, 0, 1, 1], [], []>, transpose_lhs_hint = false} : vector<1024x684xbf16>, vector<684x128xbf16>, vector<1024x128xf32> -> vector<1024x128xf32>
    %transpose3A_30 = tpu.transpose %dot_general3A_29, [1, 0] : vector<1024x128xf32> -> vector<128x1024xf32>
    %swap3A = arith.constant 0 : index
    %swap3A_31 = arith.constant 0 : index
    %swap3A_32 = vector.load %arg6[%swap3A, %swap3A_31] : memref<128x1024xf32, #tpu.memory_space<vmem>>, vector<128x1024xf32>
    tpu.vector_store %arg6[%swap3A, %swap3A_31], %transpose3A_30 {strides = array<i32>} : memref<128x1024xf32, #tpu.memory_space<vmem>>, vector<128x1024xf32>,
    return
  }
  func.func @transform_0(%arg0: i32, %arg1: memref<80xi32, #tpu.memory_space<smem>>) -> (i32, i32) {
    %c0_i32 = arith.constant 0 : i32
    %c0_i32_0 = arith.constant 0 : i32
    return %arg0, %c0_i32 : i32, i32
  }
  func.func @transform_1(%arg0: i32, %arg1: memref<80xi32, #tpu.memory_space<smem>>) -> (i32, i32, i32) {
    %get3A = arith.index_cast %arg0 : i32 to index
    %get3A_0 = memref.load %arg1[%get3A] : memref<80xi32, #tpu.memory_space<smem>>
    %c0_i32 = arith.constant 0 : i32
    %c0_i32_1 = arith.constant 0 : i32
    %c0_i32_2 = arith.constant 0 : i32
    return %get3A_0, %c0_i32, %c0_i32_1 : i32, i32, i32
  }
  func.func @transform_2(%arg0: i32, %arg1: memref<80xi32, #tpu.memory_space<smem>>) -> (i32, i32, i32) {
    %get3A = arith.index_cast %arg0 : i32 to index
    %get3A_0 = memref.load %arg1[%get3A] : memref<80xi32, #tpu.memory_space<smem>>
    %c0_i32 = arith.constant 0 : i32
    %c0_i32_1 = arith.constant 0 : i32
    %c0_i32_2 = arith.constant 0 : i32
    return %get3A_0, %c0_i32, %c0_i32_1 : i32, i32, i32
  }
  func.func @transform_3(%arg0: i32, %arg1: memref<80xi32, #tpu.memory_space<smem>>) -> (i32, i32, i32) {
    %get3A = arith.index_cast %arg0 : i32 to index
    %get3A_0 = memref.load %arg1[%get3A] : memref<80xi32, #tpu.memory_space<smem>>
    %c0_i32 = arith.constant 0 : i32
    %c0_i32_1 = arith.constant 0 : i32
    %c0_i32_2 = arith.constant 0 : i32
    return %get3A_0, %c0_i32, %c0_i32_1 : i32, i32, i32
  }
  func.func @transform_4(%arg0: i32, %arg1: memref<80xi32, #tpu.memory_space<smem>>) -> (i32, i32) {
    %c0_i32 = arith.constant 0 : i32
    %c0_i32_0 = arith.constant 0 : i32
    return %arg0, %c0_i32 : i32, i32
  }
}

module attributes {stable_mosaic.version = 14 : i64} {
  func.func @_final_body(%arg0: i32, %arg1: memref<256x1024xf32, #tpu.memory_space<vmem>>, %arg2: memref<256x1024xf32, #tpu.memory_space<vmem>>, %arg3: memref<256x128xf32, #tpu.memory_space<vmem>>, %arg4: memref<256x1024xf32, #tpu.memory_space<vmem>>) attributes {dimension_semantics = [#tpu.dimension_semantics<parallel>], iteration_bounds = array<i64: 8>, scalar_prefetch = 0 : i64, scratch_operands = 0 : i64, tpu.core_type = #tpu.core_type<tc>, window_params = [{transform_indices = @transform_0, window_bounds = array<i64: 256, 1024>}, {transform_indices = @transform_1, window_bounds = array<i64: 256, 1024>}, {transform_indices = @transform_2, window_bounds = array<i64: 256, 128>}, {transform_indices = @transform_3, window_bounds = array<i64: 256, 1024>}]} {
    %get3A = arith.constant 0 : index
    %get3A_0 = arith.constant 0 : index
    %get3A_1 = vector.load %arg1[%get3A, %get3A_0] : memref<256x1024xf32, #tpu.memory_space<vmem>>, vector<256x1024xf32>
    %get3A_2 = arith.constant 0 : index
    %get3A_3 = arith.constant 0 : index
    %get3A_4 = vector.load %arg2[%get3A_2, %get3A_3] : memref<256x1024xf32, #tpu.memory_space<vmem>>, vector<256x1024xf32>
    %get3A_5 = arith.constant 0 : index
    %get3A_6 = arith.constant 0 : index
    %get3A_7 = vector.load %arg3[%get3A_5, %get3A_6] : memref<256x128xf32, #tpu.memory_space<vmem>>, vector<256x1xf32>
    %mul3A = vector.broadcast %get3A_7 : vector<256x1xf32> to vector<256x1024xf32>
    %mul3A_8 = arith.mulf %get3A_4, %mul3A : vector<256x1024xf32>
    %add3A = arith.addf %get3A_1, %mul3A_8 : vector<256x1024xf32>
    %swap3A = arith.constant 0 : index
    %swap3A_9 = arith.constant 0 : index
    %swap3A_10 = vector.load %arg4[%swap3A, %swap3A_9] : memref<256x1024xf32, #tpu.memory_space<vmem>>, vector<256x1024xf32>
    tpu.vector_store %arg4[%swap3A, %swap3A_9], %add3A {strides = array<i32>} : memref<256x1024xf32, #tpu.memory_space<vmem>>, vector<256x1024xf32>,
    return
  }
  func.func @transform_0(%arg0: i32) -> (i32, i32) {
    %c0_i32 = arith.constant 0 : i32
    %c0_i32_0 = arith.constant 0 : i32
    return %arg0, %c0_i32 : i32, i32
  }
  func.func @transform_1(%arg0: i32) -> (i32, i32) {
    %c0_i32 = arith.constant 0 : i32
    %c0_i32_0 = arith.constant 0 : i32
    return %arg0, %c0_i32 : i32, i32
  }
  func.func @transform_2(%arg0: i32) -> (i32, i32) {
    %c0_i32 = arith.constant 0 : i32
    %c0_i32_0 = arith.constant 0 : i32
    return %arg0, %c0_i32 : i32, i32
  }
  func.func @transform_3(%arg0: i32) -> (i32, i32) {
    %c0_i32 = arith.constant 0 : i32
    %c0_i32_0 = arith.constant 0 : i32
    return %arg0, %c0_i32 : i32, i32
  }
}

</mosaic_0001>

<sc_bundles>
// kernel: kernel.12.cloned.1.call-start
scs
__scs_entry_jumppad:
0x0: {  	(pc) =	sbr.rel $0x88, $3  }
0x1: {  	(tag) =	ssettag $0x0;
	lr =	simm.s32 $0x1  }
0x2: {  	[smem:$0x3F92] =	sst lr;
	_ =	strace $0xD0000000  }
0x3: {  	_ = 	snop  }
0x4: {  	_ = 	snop  }
0x5: {  	_ = 	snop  }
0x6: {  	_ = 	snop  }
0x7: {  	_ = 	snop  }
__scs_overlays_trampoline_lowered:
0x8: {  	[smem:$0x3FA1] =	sst s0  }
0x9: {  	[smem:$0x3FA2] =	sst s1  }
0xa: {  	[smem:$0x3FA3] =	sst s2  }
0xb: {  	[smem:$0x3FA4] =	sst s3  }
0xc: {  	[smem:$0x3FA5] =	sst s4  }
0xd: {  	[smem:$0x3FA6] =	sst s5  }
0xe: {  	[smem:$0x3FA7] =	sst s6  }
0xf: {  	[smem:$0x3FA8] =	sst s7  }
0x10: {  	[smem:$0x3FA9] =	sst s8  }
0x11: {  	[smem:$0x3FAA] =	sst s9;
	s0 =	simm.s32 @!p0 $0x0  }
0x12: {  	s1 =	sld [smem:$0x3F90];
	s0 =	simm.s32 @p0 $0x1  }
0x13: {  	[smem:$0x3FAB] =	sst s0;
	s0 =	simm.s32 @!p1 $0x0  }
0x14: {  	s2 =	sld [smem:$0x3F8F];
	s0 =	simm.s32 @p1 $0x1  }
0x15: {  	[smem:$0x3FAC] =	sst s0;
	s0 =	simm.s32 @!p2 $0x0  }
0x16: {  	s3 =	sld [smem:$0x3FDB];
	s0 =	simm.s32 @p2 $0x1  }
0x17: {  	s4 =	simm.s32 $0x1BF5;
	[smem:$0x3FAE] =	sst s0  }
0x18: {  	s0 =	sld [smem:$0x3F91];
	_ =	swait.ge [sflag:s4], $0x0  }
0x19: {  	s7 =	sld [smem:$0x3F92]  }
0x1a: {  	s8 =	sadd.s32 $0xFFFFE003, lr  }
0x1b: {  	s9 =	sadd.s32 $0xFFFFFEF7, lr;
	s5 =	simm.s32 $0xFFFFFFFF;
	p2 =	slt.u32 s8, $0xFFFFF086  }
0x1c: {  	p1 =	slt.u32 s9, $0xF7A;
	s5 =	simm.s32 @!p2 $0x0  }
0x1d: {  	s5 =	simm.s32 @p1 $0x1;
	p0 =	seq.s32 s7, s2  }
0x1e: {  	s7 =	smul.u32 @!p0 $0xF7A, s2;
	p2 =	seq.s32 @!p0 s5, $0x0  }
0x1f: {  	s9 =	smul.u32 $0xF7A, s1;
	s8 =	simm.s32 @!p0 $0x1BF5;
	p2 =	por !p2, p0  }
0x20: {  	[sflag:s8] =	ssyncset.s32 @!p0 $0xFFFFF086;
	s6 =	sadd.s32 @!p0 s3, s7;
	s7 =	simm.s32 @!p0 $0x108  }
0x21: {  	s3 =	sadd.s32 s3, s9;
	s6 =	sadd.s32 @!p0 $0x88, s6;
	s7 =	simm.s32 @p2 $0x1082  }
0x22: {  	[simem:s7], [sflag:s8] =	dma.local @!p0 [hbm:s6], $0xF7A  }
0x23: {  	s9 =	sor.u32 $0xD0000000, s2;
	s6 =	simm.s32 $0x108;
	_ =	swait.ge @!p0 [sflag:s8], $0x0  }
0x24: {  	s3 =	sadd.s32 $0x88, s3;
	s6 =	simm.s32 @!p1 $0x1082;
	[sflag:s4] =	ssyncset.s32 $0xFFFFF086  }
0x25: {  	[simem:s6], [sflag:s4] =	dma.local [hbm:s3], $0xF7A  }
0x26: {  	[smem:$0x3F92] =	sst s1;
	(tag) =	ssettag s2;
	_ =	strace s9  }
0x27: {  	s1 =	sld [smem:$0x3FA2]  }
0x28: {  	s2 =	sld [smem:$0x3FA3]  }
0x29: {  	s4 =	sld [smem:$0x3FA5]  }
0x2a: {  	p0 =	seq.s32 s5, $0x0;
	s5 =	sld [smem:$0x3FA6]  }
0x2b: {  	s6 =	sld [smem:$0x3FA7]  }
0x2c: {  	s7 =	sld [smem:$0x3FA8]  }
0x2d: {  	s3 =	simm.s32 $0x108;
	s8 =	sld [smem:$0x3FA9]  }
0x2e: {  	s3 =	simm.s32 @!p0 $0x1082;
	s9 =	sld [smem:$0x3FAA]  }
0x2f: {  	lr =	sadd.s32 s0, s3;
	s0 =	sld [smem:$0x3FA1]  }
0x30: {  	s3 =	sld [smem:$0x3FA4]  }
0x31: {  	[smem:$0x3FAD] =	sst s10  }
0x32: {  	s10 =	sld [smem:$0x3FAB];
	_ =	sdelay $0x3  }
0x33: {  	p0 =	seq.s32 s10, $0x1;
	s10 =	sld [smem:$0x3FAD];
	_ =	sdelay $0x3  }
0x34: {  	[smem:$0x3FAD] =	sst s10  }
0x35: {  	s10 =	sld [smem:$0x3FAC];
	_ =	sdelay $0x3  }
0x36: {  	p1 =	seq.s32 s10, $0x1;
	s10 =	sld [smem:$0x3FAD];
	_ =	sdelay $0x3  }
0x37: {  	[smem:$0x3FAD] =	sst s10  }
0x38: {  	s10 =	sld [smem:$0x3FAE]  }
0x39: {  	_ = 	snop;
	(pc) =	sbr.ind lr, $3  }
0x3a: {  	_ = 	snop  }
0x3b: {  	_ = 	snop  }
0x3c: {  	p2 =	seq.s32 s10, $0x1;
	s10 =	sld [smem:$0x3FAD]  }
0x3d: {  	_ =	shalt  }
0x3e: {  	_ =	shalt  }
0x3f: {  	_ =	shalt  }
0x40: {  	_ =	shalt  }
0x41: {  	_ =	shalt  }
0x42: {  	_ =	shalt  }
0x43: {  	_ =	shalt  }
0x44: {  	_ =	shalt  }
0x45: {  	_ =	shalt  }
0x46: {  	_ =	shalt  }
0x47: {  	_ =	shalt  }
0x48: {  	_ =	shalt  }
0x49: {  	_ =	shalt  }
0x4a: {  	_ =	shalt  }
0x4b: {  	_ =	shalt  }
0x4c: {  	_ =	shalt  }
0x4d: {  	_ =	shalt  }
0x4e: {  	_ =	shalt  }
0x4f: {  	_ =	shalt  }
0x50: {  	_ =	shalt  }
0x51: {  	_ =	shalt  }
0x52: {  	_ =	shalt  }
0x53: {  	_ =	shalt  }
0x54: {  	_ =	shalt  }
0x55: {  	_ =	shalt  }
0x56: {  	_ =	shalt  }
0x57: {  	_ =	shalt  }
0x58: {  	_ =	shalt  }
0x59: {  	_ =	shalt  }
0x5a: {  	_ =	shalt  }
0x5b: {  	_ =	shalt  }
0x5c: {  	_ =	shalt  }
0x5d: {  	_ =	shalt  }
0x5e: {  	_ =	shalt  }
0x5f: {  	_ =	shalt  }
0x60: {  	_ =	shalt  }
0x61: {  	_ =	shalt  }
0x62: {  	_ =	shalt  }
0x63: {  	_ =	shalt  }
0x64: {  	_ =	shalt  }
0x65: {  	_ =	shalt  }
0x66: {  	_ =	shalt  }
0x67: {  	_ =	shalt  }
0x68: {  	_ =	shalt  }
0x69: {  	_ =	shalt  }
0x6a: {  	_ =	shalt  }
0x6b: {  	_ =	shalt  }
0x6c: {  	_ =	shalt  }
0x6d: {  	_ =	shalt  }
0x6e: {  	_ =	shalt  }
0x6f: {  	_ =	shalt  }
0x70: {  	_ =	shalt  }
0x71: {  	_ =	shalt  }
0x72: {  	_ =	shalt  }
0x73: {  	_ =	shalt  }
0x74: {  	_ =	shalt  }
0x75: {  	_ =	shalt  }
0x76: {  	_ =	shalt  }
0x77: {  	_ =	shalt  }
0x78: {  	_ =	shalt  }
0x79: {  	_ =	shalt  }
0x7a: {  	_ =	shalt  }
0x7b: {  	_ =	shalt  }
0x7c: {  	_ =	shalt  }
0x7d: {  	_ =	shalt  }
0x7e: {  	_ =	shalt  }
0x7f: {  	_ =	shalt  }
0x80: {  	_ =	shalt  }
0x81: {  	_ =	shalt  }
0x82: {  	_ =	shalt  }
0x83: {  	_ =	shalt  }
0x84: {  	_ =	shalt  }
0x85: {  	_ =	shalt  }
0x86: {  	_ =	shalt  }
0x87: {  	_ =	shalt  }
.Lfunc_end0:
.L_simem_size_0:
called_computation.2_lowered:
.L_overlay_start_0:
0x88: {  	s2 =	sld [smem:$0x3FD9]  }
0x89: {  	s3 =	sld [smem:$0x3FFE];
	_ =	sdelay $0x1  }
0x8a: {  	s1 =	srdreg.scid  }
0x8b: {  	s0 =	sand.u32 $0x1, s1  }
0x8c: {  	s16 =	sshll.u32 s0, $0xA;
	s2 =	sadd.s32 s3, s2  }
0x8d: {  	s2 =	sadd.s32 s2, s16  }
0x8e: {  	[smem:$0x3FB9] =	sst s2  }
0x8f: {  	_ = 	snop  }
0x90: {  	(tm) =	ssettm $0x1  }
0x91: {  	s17 =	sld [smem:$0x3FFB];
	_ =	sdelay $0x3  }
0x92: {  	_ =	strace s17  }
0x93: {  	s2 =	sld [smem:$0x3FFC];
	_ =	sdelay $0x3  }
0x94: {  	_ =	strace s2  }
0x95: {  	s2 =	sld [smem:$0x3FFD];
	_ =	sdelay $0x3  }
0x96: {  	_ =	strace s2  }
0x97: {  	_ =	strace $0x8FFFFFFF  }
0x98: {  	s18 =	sld [smem:$0x3FDB];
	_ =	sdelay $0x1  }
0x99: {  	s19 =	simm.s32 $_scs_section_size  }
0x9a: {  	s4 =	simm.s32 $_size__tile_overlayer_lowered;
	s5 =	simm.s32 $_tile_overlayer_lowered  }
0x9b: {  	s22 =	simm.s32 $0x1BFF;
	s21 =	sshll.u32 s5, $0x1;
	s2 =	sadd.s32 s19, s18  }
0x9c: {  	s6 =	simm.s32 $0x0;
	s20 =	sshll.u32 s4, $0x1;
	s4 =	sadd.s32 s21, s2  }
0x9d: {  	[timem:s6], [sflag:s22] =	dma.local [hbm:s4], s20  }
0x9e: {  	_ =	swait.ge [sflag:s22], s20  }
0x9f: {  	s3 =	ssub.s32 $0x0, s20;
	[sflag:s22] =	ssyncset.done $0x0  }
0xa0: {  	[sflag:s22] =	ssyncadd.s32 s3;
	_ =	sdelay $0x1  }
0xa1: {  	s23 =	simm.s32 $0x1B8B  }
0xa2: {  	_ =	swait.ge [sflag:s23], $0x1  }
0xa3: {  	[sflag:s23] =	ssyncset.done $0x0  }
0xa4: {  	s25 =	simm.s32 $0x1B8E;
	s24 =	sld [smem:$0x3FFE];
	[sflag:s23] =	ssyncadd.s32 $0xFFFFFFFF  }
0xa5: {  	s26 =	simm.s32 $execute0_lowered;
	[smem:$0x3FD2] =	sst s25  }
0xa6: {  	s4 =	sshll.u32 s26, $0x1;
	_ =	strace $0x8000004C;
	[dreg:$0x1] =	wrdreg $0xFFFFFFFF  }
0xa7: {  	s28 =	simm.s32 $_size_execute0_lowered;
	s2 =	sadd.s32 s2, s4;
	[dreg:$0x0] =	wrdreg $0x0  }
0xa8: {  	s4 =	sshll.u32 s28, $0x1;
	[dreg:$0x2] =	wrdreg s2  }
0xa9: {  	[dreg:$0x3] =	wrdreg s4  }
0xaa: {  	[dreg:$0x4] =	wrdreg $0xC0  }
0xab: {  	_ =	task [dreg:s6], $0x5FFFF  }
0xac: {  	[dreg:$0x1] =	wrdreg $0xFFFFFFFF  }
0xad: {  	[dreg:$0x0] =	wrdreg $0x60  }
0xae: {  	[dreg:$0x2] =	wrdreg s24  }
0xaf: {  	[dreg:$0x3] =	wrdreg $0x9  }
0xb0: {  	_ =	task.clear_ibuf [dreg:s6], $0x4FFFF;
	_ =	strace $0x9000004C  }
0xb1: {  	s29 =	simm.s32 $0x9;
	_ =	strace $0x8000004E  }
0xb2: {  	_ =	swait.ge [sflag:s29], $0x1  }
0xb3: {  	[sflag:s29] =	ssyncadd.s32 $0xFFFFFFFF  }
0xb4: {  	_ =	strace $0x9000004E  }
0xb5: {  	_ =	sfence  }
0xb6: {  	s30 =	sld [smem:$0x0];
	_ =	sdelay $0x2  }
0xb7: {  	s31 =	sshll.u32 s1, $0xD;
	s1 =	sshrl.u32 s1, $0x2  }
0xb8: {  	s3 =	sand.u32 $0x4000, s31;
	s1 =	sadd.s32 s1, s30  }
0xb9: {  	s0 =	sor.u32 s3, s0;
	s1 =	sshll.u32 s1, $0x11  }
0xba: {  	s0 =	sor.u32 s1, s0  }
0xbb: {  	s0 =	sadd.s32 $0x8F2B, s0  }
0xbc: {  	[sflag:s0] =	ssyncadd.remote.s32 $0x1  }
0xbd: {  	_ =	sfence.sel $0xFFFF  }
0xbe: {  	[dreg:$0x0] =	wrdreg $0xFFFFFFFF;
	(pc) =	sbr.abs _section_cstart, $3  }
0xbf: {  	[dreg:$0x1] =	wrdreg $0xFFFFFFFF  }
0xc0: {  	_ =	task.clear_ibuf [dreg:s6], $0x2FFFF;
	_ =	strace $0x9FFFFFFF  }
0xc1: {  	(tm) =	ssettm $0x7FFFFFFF  }
tec
execute0_lowered:
.L_overlay_start_1:
0x0: {  	(tag) =	ssettag $0x1  }
0x1: {  	s1 =	srdreg.scid  }
0x2: {  	s0 =	stileid.u32;
	s6 =	rddreg [dreg:$0x0]  }
0x3: {  	s19 =	simm.s32 $0x880;
	s20 =	simm.s32 $0x1080;
	s21 =	simm.s32 $0x1880  }
0x4: {  	s22 =	simm.s32 $0x2080;
	s23 =	simm.s32 $0x2880;
	s7 =	simm.s32 $0x3080  }
0x5: {  	s24 =	simm.s32 $0x3880;
	s8 =	simm.s32 $0x4080;
	s25 =	simm.s32 $0x4880  }
0x6: {  	s26 =	simm.s32 $0x5080;
	s9 =	simm.s32 $0x80;
	s1 =	sand.u32 $0x1, s1  }
0x7: {  	s11 =	simm.s32 $0x6080;
	s2 =	sshll.u32 s0, $0x7;
	s3 =	sshll.u32 s1, $0x6  }
0x8: {  	s12 =	simm.s32 $0x6880;
	s3 =	sor.u32 s3, s2;
	s2 =	simm.s32 $0x0  }
0x9: {  	s13 =	simm.s32 $0x7080;
	s14 =	simm.s32 $0x7880;
	[smem:$0x7FF] =	sst s2  }
0xa: {  	s15 =	simm.s32 $0x8080;
	_ =	strace $0x8000004D;
	[dreg:$0x4] =	wrdreg s19  }
0xb: {  	s16 =	simm.s32 $0x8880;
	s17 =	simm.s32 $0x9080;
	[dreg:$0x5] =	wrdreg s20  }
0xc: {  	s18 =	simm.s32 $0x9880;
	s28 =	simm.s32 $0xE080;
	[dreg:$0x6] =	wrdreg s21  }
0xd: {  	s29 =	simm.s32 $0xE880;
	s30 =	simm.s32 $0xF080;
	[dreg:$0x7] =	wrdreg s22  }
0xe: {  	s31 =	simm.s32 $0xF880;
	s1 =	ssub.s32 $0x2, s1;
	[dreg:$0x8] =	wrdreg s23  }
0xf: {  	s5 =	sshrl.u32 s1, $0x1;
	s4 =	sshrl.u32 s3, $0x3;
	[dreg:$0x9] =	wrdreg s7  }
0x10: {  	s3 =	sshll.u32 s3, $0x7;
	s1 =	ssub.s32 s1, s5;
	[dreg:$0xa] =	wrdreg s24  }
0x11: {  	s5 =	sadd.s32 $0x1249600, s6;
	s4 =	sadd.s32 s4, s6;
	[dreg:$0xb] =	wrdreg s8  }
0x12: {  	s3 =	sadd.s32 s3, s6;
	s7 =	smax.u32 s1, $0x1;
	[dreg:$0xc] =	wrdreg s25  }
0x13: {  	s8 =	simm.s32 $0x2;
	[dreg:$0xd] =	wrdreg s26;
	s19 =	simm.s32 $0xA080  }
0x14: {  	s20 =	simm.s32 $0xA880;
	s21 =	simm.s32 $0xB080;
	s22 =	simm.s32 $0xB880  }
0x15: {  	s23 =	simm.s32 $0xC080;
	s24 =	simm.s32 $0xC880;
	s25 =	simm.s32 $0xD080  }
0x16: {  	v2 =	vlaneseq.u32;
	s26 =	simm.s32 $0xD880;
	s1 =	simm.s32 $0x1;
	s3 =	sadd.s32 $0x600, s3  }
0x17: {  	vm0 =	vmmov $0xffff;
	v1 =	vshrl.u32 v2, $0x3;
	s4 =	sadd.s32 $0x189200, s4;
	[dreg:$0x3] =	wrdreg s3;
	s3 =	sadd.s32 $0x1249400, s6  }
0x18: {  	v0 =	vand.u32 $0x7, v2;
	v2 =	vor.u32 $0x8, v2;
	v1 =	vmul.u32 $0x8, v1;
	[dreg:$0x2] =	wrdreg s4;
	s4 =	sadd.s32 $0x1249500, s6;
	s6 =	sadd.s32 $0x1249700, s6  }
.LBB2_1:
0x19: {  	s0 =	rddreg [dreg:$0x2]  }
0x1a: {  	[tilespmem:s2], [sflag:$0x2] =	stream.linear.gather [hbm4b:s0+s2], $0x40, $0x38;
	[tilespmem:$0x10080] =	vst v63  }
0x1b: {  	_ =	swait.ge [sflag:s8], $0x40  }
0x1c: {  	[sflag:s8] =	ssyncset.done $0x0  }
0x1d: {  	[sflag:s8] =	ssyncadd.s32 $0xFFFFFFC0  }
0x1e: {  	v3 =	vld [tilespmem:$0x0];
	_ =	sdelay $0x4  }
0x1f: {  	v4 =	vshll.u32 v3, $0x3  }
0x20: {  	v3 =	vand.u32 $0x7, v3;
	v4 =	vand.u32 $0xFFFFFFC0, v4  }
0x21: {  	v3 =	vor.u32 v3, v4  }
0x22: {  	v4 =	vperm.xlane v3, v0;
	_ =	sdelay $0x1  }
0x23: {  	v4 =	vadd.s32 v1, v4;
	_ =	sdelay $0x4  }
0x24: {  	[tilespmem:s9], [sflag:$0x1] =	stream.indirect_vreg.gather [hbm4b:s3+s2], $0x80, v4, vm0, $0xb8;
	[tilespmem:$0x10080] =	vst v63  }
0x25: {  	s0 =	rddreg [dreg:$0x4];
	v3 =	vperm.xlane v3, v2  }
0x26: {  	[tilespmem:s0], [sflag:$0x1] =	stream.indirect_vreg.gather [hbm4b:s4+s2], $0x80, v4, vm0, $0xb8;
	[tilespmem:$0x10080] =	vst v63  }
0x27: {  	s10 =	rddreg [dreg:$0x5];
	v3 =	vadd.s32 v1, v3  }
0x28: {  	[tilespmem:s10], [sflag:$0x1] =	stream.indirect_vreg.gather [hbm4b:s5+s2], $0x80, v4, vm0, $0xb8;
	[tilespmem:$0x10080] =	vst v63  }
0x29: {  	s0 =	rddreg [dreg:$0x6]  }
0x2a: {  	[tilespmem:s0], [sflag:$0x1] =	stream.indirect_vreg.gather [hbm4b:s6+s2], $0x80, v4, vm0, $0xb8;
	[tilespmem:$0x10080] =	vst v63  }
0x2b: {  	s10 =	rddreg [dreg:$0x7]  }
0x2c: {  	[tilespmem:s10], [sflag:$0x1] =	stream.indirect_vreg.gather [hbm4b:s3+s2], $0x80, v3, vm0, $0xb8;
	[tilespmem:$0x10080] =	vst v63  }
0x2d: {  	s0 =	rddreg [dreg:$0x8]  }
0x2e: {  	[tilespmem:s0], [sflag:$0x1] =	stream.indirect_vreg.gather [hbm4b:s4+s2], $0x80, v3, vm0, $0xb8;
	[tilespmem:$0x10080] =	vst v63  }
0x2f: {  	s10 =	rddreg [dreg:$0x9]  }
0x30: {  	[tilespmem:s10], [sflag:$0x1] =	stream.indirect_vreg.gather [hbm4b:s5+s2], $0x80, v3, vm0, $0xb8;
	[tilespmem:$0x10080] =	vst v63  }
0x31: {  	s0 =	rddreg [dreg:$0xa]  }
0x32: {  	[tilespmem:s0], [sflag:$0x1] =	stream.indirect_vreg.gather [hbm4b:s6+s2], $0x80, v3, vm0, $0xb8;
	[tilespmem:$0x10080] =	vst v63  }
0x33: {  	v3 =	vld [tilespmem:$0x10];
	_ =	sdelay $0x4  }
0x34: {  	v61 =	vshll.u32 v3, $0x3  }
0x35: {  	v3 =	vand.u32 $0x7, v3;
	v4 =	vand.u32 $0xFFFFFFC0, v61  }
0x36: {  	v3 =	vor.u32 v3, v4  }
0x37: {  	v4 =	vperm.xlane v3, v0;
	_ =	sdelay $0x1  }
0x38: {  	v4 =	vadd.s32 v1, v4;
	_ =	sdelay $0x3  }
0x39: {  	s0 =	rddreg [dreg:$0xb]  }
0x3a: {  	[tilespmem:s0], [sflag:$0x1] =	stream.indirect_vreg.gather [hbm4b:s3+s2], $0x80, v4, vm0, $0xb8;
	[tilespmem:$0x10080] =	vst v63  }
0x3b: {  	s10 =	rddreg [dreg:$0xc];
	v3 =	vperm.xlane v3, v2  }
0x3c: {  	[tilespmem:s10], [sflag:$0x1] =	stream.indirect_vreg.gather [hbm4b:s4+s2], $0x80, v4, vm0, $0xb8;
	[tilespmem:$0x10080] =	vst v63  }
0x3d: {  	v3 =	vadd.s32 v1, v3;
	s0 =	rddreg [dreg:$0xd]  }
0x3e: {  	[tilespmem:s0], [sflag:$0x1] =	stream.indirect_vreg.gather [hbm4b:s5+s2], $0x80, v4, vm0, $0xb8;
	[tilespmem:$0x10080] =	vst v63  }
0x3f: {  	s10 =	simm.s32 $0x5880  }
0x40: {  	[tilespmem:s10], [sflag:$0x1] =	stream.indirect_vreg.gather [hbm4b:s6+s2], $0x80, v4, vm0, $0xb8;
	[tilespmem:$0x10080] =	vst v63  }
0x41: {  	_ = 	snop  }
0x42: {  	[tilespmem:s11], [sflag:$0x1] =	stream.indirect_vreg.gather [hbm4b:s3+s2], $0x80, v3, vm0, $0xb8;
	[tilespmem:$0x10080] =	vst v63  }
0x43: {  	_ = 	snop  }
0x44: {  	[tilespmem:s12], [sflag:$0x1] =	stream.indirect_vreg.gather [hbm4b:s4+s2], $0x80, v3, vm0, $0xb8;
	[tilespmem:$0x10080] =	vst v63  }
0x45: {  	_ = 	snop  }
0x46: {  	[tilespmem:s13], [sflag:$0x1] =	stream.indirect_vreg.gather [hbm4b:s5+s2], $0x80, v3, vm0, $0xb8;
	[tilespmem:$0x10080] =	vst v63  }
0x47: {  	_ = 	snop  }
0x48: {  	[tilespmem:s14], [sflag:$0x1] =	stream.indirect_vreg.gather [hbm4b:s6+s2], $0x80, v3, vm0, $0xb8;
	[tilespmem:$0x10080] =	vst v63  }
0x49: {  	v3 =	vld [tilespmem:$0x20];
	_ =	sdelay $0x4  }
0x4a: {  	v62 =	vshll.u32 v3, $0x3  }
0x4b: {  	v3 =	vand.u32 $0x7, v3;
	v4 =	vand.u32 $0xFFFFFFC0, v62  }
0x4c: {  	v3 =	vor.u32 v3, v4  }
0x4d: {  	v4 =	vperm.xlane v3, v0;
	_ =	sdelay $0x1  }
0x4e: {  	v4 =	vadd.s32 v1, v4;
	_ =	sdelay $0x4  }
0x4f: {  	[tilespmem:s15], [sflag:$0x1] =	stream.indirect_vreg.gather [hbm4b:s3+s2], $0x80, v4, vm0, $0xb8;
	[tilespmem:$0x10080] =	vst v63  }
0x50: {  	v3 =	vperm.xlane v3, v2  }
0x51: {  	[tilespmem:s16], [sflag:$0x1] =	stream.indirect_vreg.gather [hbm4b:s4+s2], $0x80, v4, vm0, $0xb8;
	[tilespmem:$0x10080] =	vst v63  }
0x52: {  	v3 =	vadd.s32 v1, v3  }
0x53: {  	[tilespmem:s17], [sflag:$0x1] =	stream.indirect_vreg.gather [hbm4b:s5+s2], $0x80, v4, vm0, $0xb8;
	[tilespmem:$0x10080] =	vst v63  }
0x54: {  	_ = 	snop  }
0x55: {  	[tilespmem:s18], [sflag:$0x1] =	stream.indirect_vreg.gather [hbm4b:s6+s2], $0x80, v4, vm0, $0xb8;
	[tilespmem:$0x10080] =	vst v63  }
0x56: {  	_ = 	snop  }
0x57: {  	[tilespmem:s19], [sflag:$0x1] =	stream.indirect_vreg.gather [hbm4b:s3+s2], $0x80, v3, vm0, $0xb8;
	[tilespmem:$0x10080] =	vst v63  }
0x58: {  	_ = 	snop  }
0x59: {  	[tilespmem:s20], [sflag:$0x1] =	stream.indirect_vreg.gather [hbm4b:s4+s2], $0x80, v3, vm0, $0xb8;
	[tilespmem:$0x10080] =	vst v63  }
0x5a: {  	_ = 	snop  }
0x5b: {  	[tilespmem:s21], [sflag:$0x1] =	stream.indirect_vreg.gather [hbm4b:s5+s2], $0x80, v3, vm0, $0xb8;
	[tilespmem:$0x10080] =	vst v63  }
0x5c: {  	_ = 	snop  }
0x5d: {  	[tilespmem:s22], [sflag:$0x1] =	stream.indirect_vreg.gather [hbm4b:s6+s2], $0x80, v3, vm0, $0xb8;
	[tilespmem:$0x10080] =	vst v63  }
0x5e: {  	v3 =	vld [tilespmem:$0x30];
	_ =	sdelay $0x4  }
0x5f: {  	v63 =	vshll.u32 v3, $0x3  }
0x60: {  	v3 =	vand.u32 $0x7, v3;
	v4 =	vand.u32 $0xFFFFFFC0, v63  }
0x61: {  	v3 =	vor.u32 v3, v4  }
0x62: {  	v4 =	vperm.xlane v3, v0;
	_ =	sdelay $0x1  }
0x63: {  	v4 =	vadd.s32 v1, v4;
	_ =	sdelay $0x4  }
0x64: {  	[tilespmem:s23], [sflag:$0x1] =	stream.indirect_vreg.gather [hbm4b:s3+s2], $0x80, v4, vm0, $0xb8;
	[tilespmem:$0x10080] =	vst v63  }
0x65: {  	v3 =	vperm.xlane v3, v2  }
0x66: {  	[tilespmem:s24], [sflag:$0x1] =	stream.indirect_vreg.gather [hbm4b:s4+s2], $0x80, v4, vm0, $0xb8;
	[tilespmem:$0x10080] =	vst v63  }
0x67: {  	v3 =	vadd.s32 v1, v3  }
0x68: {  	[tilespmem:s25], [sflag:$0x1] =	stream.indirect_vreg.gather [hbm4b:s5+s2], $0x80, v4, vm0, $0xb8;
	[tilespmem:$0x10080] =	vst v63  }
0x69: {  	_ = 	snop  }
0x6a: {  	[tilespmem:s26], [sflag:$0x1] =	stream.indirect_vreg.gather [hbm4b:s6+s2], $0x80, v4, vm0, $0xb8;
	[tilespmem:$0x10080] =	vst v63  }
0x6b: {  	_ = 	snop  }
0x6c: {  	[tilespmem:s28], [sflag:$0x1] =	stream.indirect_vreg.gather [hbm4b:s3+s2], $0x80, v3, vm0, $0xb8;
	[tilespmem:$0x10080] =	vst v63  }
0x6d: {  	_ = 	snop  }
0x6e: {  	[tilespmem:s29], [sflag:$0x1] =	stream.indirect_vreg.gather [hbm4b:s4+s2], $0x80, v3, vm0, $0xb8;
	[tilespmem:$0x10080] =	vst v63  }
0x6f: {  	_ = 	snop  }
0x70: {  	[tilespmem:s30], [sflag:$0x1] =	stream.indirect_vreg.gather [hbm4b:s5+s2], $0x80, v3, vm0, $0xb8;
	[tilespmem:$0x10080] =	vst v63  }
0x71: {  	_ = 	snop  }
0x72: {  	[tilespmem:s31], [sflag:$0x1] =	stream.indirect_vreg.gather [hbm4b:s6+s2], $0x80, v3, vm0, $0xb8;
	[tilespmem:$0x10080] =	vst v63  }
0x73: {  	_ =	swait.ge [sflag:s1], $0x10000  }
0x74: {  	p0 =	sne.s32 s7, $0x1;
	[sflag:s1] =	ssyncset.done $0x0  }
.Ltmp0:
0x75: {  	s10 =	rddreg [dreg:$0x3];
	[sflag:s1] =	ssyncadd.s32 $0xFFFF0000;
	(pc) =	sbr.rel @p0 .LBB2_1-.Ltmp0, $4  }
0x76: {  	[hbm4b:s10+s2] =	stream.linear.scatter [tilespmem:s9], [sflag:$0x2], $0x10000, $0x38;
	[tilespmem:$0x10080] =	vst v63  }
0x77: {  	_ =	swait.ge [sflag:s8], $0x10000  }
0x78: {  	[sflag:s8] =	ssyncset.done $0x0  }
0x79: {  	s7 =	sadd.s32 $0xFFFFFFFF, s7;
	[sflag:s8] =	ssyncadd.s32 $0xFFFF0000  }
0x7a: {  	_ =	sfence.sel $0x180000  }
0x7b: {  	[bflag:$0x0] =	sbarrier.arrive $0xFFFF  }
0x7c: {  	_ =	strace $0x9000004D  }
0x7d: {  	s0 =	stileid.u32;
	[bflag:$0x2] =	sbarrier.arrive $0xFFFF  }
0x7e: {  	p0 =	sne.s32 s0, $0x0;
	s0 =	rddreg [dreg:$0x1]  }
0x7f: {  	s0 =	sadd.s32 @!p0 $0x100000, s0  }
0x80: {  	[sflag:s0] =	ssyncadd.tile.s32 @!p0 $0x1;
	_ =	shalt  }
.Lfunc_end2:
_tile_overlayer_lowered:
.L_overlay_start_2:
0x81: {  	(tag) =	ssettag $0x2  }
0x82: {  	s0 =	rddreg [dreg:$0x0];
	s2 =	stileid.u32  }
0x83: {  	s1 =	rddreg [dreg:$0x1];
	p0 =	sne.s32 s2, $0x0  }
0x84: {  	s3 =	rddreg [dreg:$0x2];
	[bflag:$0x3] =	sbarrier.arrive $0xFFFF;
	s2 =	simm.s32 @!p0 $0x1C02  }
0x85: {  	[timem:s3], [sflag:s2] =	dma.local @!p0 [hbm:s0], s1  }
0x86: {  	s0 =	simm.s32 @!p0 $0x2  }
0x87: {  	_ =	swait.ge @!p0 [sflag:s0], s1  }
0x88: {  	s1 =	ssub.s32 @!p0 $0x0, s1;
	[sflag:s0] =	ssyncset.done @!p0 $0x0  }
0x89: {  	[sflag:s0] =	ssyncadd.s32 @!p0 s1  }
0x8a: {  	[bflag:$0x3] =	sbarrier.arrive $0xFFFF  }
0x8b: {  	_ =	shalt  }

// kernel: kernel.9.cloned.1.call-start
scs
__scs_entry_jumppad:
0x0: {  	(pc) =	sbr.rel $0x88, $3  }
0x1: {  	(tag) =	ssettag $0x0;
	lr =	simm.s32 $0x1  }
0x2: {  	[smem:$0x3F92] =	sst lr;
	_ =	strace $0xD0000000  }
0x3: {  	_ = 	snop  }
0x4: {  	_ = 	snop  }
0x5: {  	_ = 	snop  }
0x6: {  	_ = 	snop  }
0x7: {  	_ = 	snop  }
__scs_overlays_trampoline_lowered:
0x8: {  	[smem:$0x3FA1] =	sst s0  }
0x9: {  	[smem:$0x3FA2] =	sst s1  }
0xa: {  	[smem:$0x3FA3] =	sst s2  }
0xb: {  	[smem:$0x3FA4] =	sst s3  }
0xc: {  	[smem:$0x3FA5] =	sst s4  }
0xd: {  	[smem:$0x3FA6] =	sst s5  }
0xe: {  	[smem:$0x3FA7] =	sst s6  }
0xf: {  	[smem:$0x3FA8] =	sst s7  }
0x10: {  	[smem:$0x3FA9] =	sst s8  }
0x11: {  	[smem:$0x3FAA] =	sst s9;
	s0 =	simm.s32 @!p0 $0x0  }
0x12: {  	s1 =	sld [smem:$0x3F90];
	s0 =	simm.s32 @p0 $0x1  }
0x13: {  	[smem:$0x3FAB] =	sst s0;
	s0 =	simm.s32 @!p1 $0x0  }
0x14: {  	s2 =	sld [smem:$0x3F8F];
	s0 =	simm.s32 @p1 $0x1  }
0x15: {  	[smem:$0x3FAC] =	sst s0;
	s0 =	simm.s32 @!p2 $0x0  }
0x16: {  	s3 =	sld [smem:$0x3FDB];
	s0 =	simm.s32 @p2 $0x1  }
0x17: {  	s4 =	simm.s32 $0x1BF5;
	[smem:$0x3FAE] =	sst s0  }
0x18: {  	s0 =	sld [smem:$0x3F91];
	_ =	swait.ge [sflag:s4], $0x0  }
0x19: {  	s7 =	sld [smem:$0x3F92]  }
0x1a: {  	s8 =	sadd.s32 $0xFFFFE003, lr  }
0x1b: {  	s9 =	sadd.s32 $0xFFFFFEF7, lr;
	s5 =	simm.s32 $0xFFFFFFFF;
	p2 =	slt.u32 s8, $0xFFFFF086  }
0x1c: {  	p1 =	slt.u32 s9, $0xF7A;
	s5 =	simm.s32 @!p2 $0x0  }
0x1d: {  	s5 =	simm.s32 @p1 $0x1;
	p0 =	seq.s32 s7, s2  }
0x1e: {  	s7 =	smul.u32 @!p0 $0xF7A, s2;
	p2 =	seq.s32 @!p0 s5, $0x0  }
0x1f: {  	s9 =	smul.u32 $0xF7A, s1;
	s8 =	simm.s32 @!p0 $0x1BF5;
	p2 =	por !p2, p0  }
0x20: {  	[sflag:s8] =	ssyncset.s32 @!p0 $0xFFFFF086;
	s6 =	sadd.s32 @!p0 s3, s7;
	s7 =	simm.s32 @!p0 $0x108  }
0x21: {  	s3 =	sadd.s32 s3, s9;
	s6 =	sadd.s32 @!p0 $0x88, s6;
	s7 =	simm.s32 @p2 $0x1082  }
0x22: {  	[simem:s7], [sflag:s8] =	dma.local @!p0 [hbm:s6], $0xF7A  }
0x23: {  	s9 =	sor.u32 $0xD0000000, s2;
	s6 =	simm.s32 $0x108;
	_ =	swait.ge @!p0 [sflag:s8], $0x0  }
0x24: {  	s3 =	sadd.s32 $0x88, s3;
	s6 =	simm.s32 @!p1 $0x1082;
	[sflag:s4] =	ssyncset.s32 $0xFFFFF086  }
0x25: {  	[simem:s6], [sflag:s4] =	dma.local [hbm:s3], $0xF7A  }
0x26: {  	[smem:$0x3F92] =	sst s1;
	(tag) =	ssettag s2;
	_ =	strace s9  }
0x27: {  	s1 =	sld [smem:$0x3FA2]  }
0x28: {  	s2 =	sld [smem:$0x3FA3]  }
0x29: {  	s4 =	sld [smem:$0x3FA5]  }
0x2a: {  	p0 =	seq.s32 s5, $0x0;
	s5 =	sld [smem:$0x3FA6]  }
0x2b: {  	s6 =	sld [smem:$0x3FA7]  }
0x2c: {  	s7 =	sld [smem:$0x3FA8]  }
0x2d: {  	s3 =	simm.s32 $0x108;
	s8 =	sld [smem:$0x3FA9]  }
0x2e: {  	s3 =	simm.s32 @!p0 $0x1082;
	s9 =	sld [smem:$0x3FAA]  }
0x2f: {  	lr =	sadd.s32 s0, s3;
	s0 =	sld [smem:$0x3FA1]  }
0x30: {  	s3 =	sld [smem:$0x3FA4]  }
0x31: {  	[smem:$0x3FAD] =	sst s10  }
0x32: {  	s10 =	sld [smem:$0x3FAB];
	_ =	sdelay $0x3  }
0x33: {  	p0 =	seq.s32 s10, $0x1;
	s10 =	sld [smem:$0x3FAD];
	_ =	sdelay $0x3  }
0x34: {  	[smem:$0x3FAD] =	sst s10  }
0x35: {  	s10 =	sld [smem:$0x3FAC];
	_ =	sdelay $0x3  }
0x36: {  	p1 =	seq.s32 s10, $0x1;
	s10 =	sld [smem:$0x3FAD];
	_ =	sdelay $0x3  }
0x37: {  	[smem:$0x3FAD] =	sst s10  }
0x38: {  	s10 =	sld [smem:$0x3FAE]  }
0x39: {  	_ = 	snop;
	(pc) =	sbr.ind lr, $3  }
0x3a: {  	_ = 	snop  }
0x3b: {  	_ = 	snop  }
0x3c: {  	p2 =	seq.s32 s10, $0x1;
	s10 =	sld [smem:$0x3FAD]  }
0x3d: {  	_ =	shalt  }
0x3e: {  	_ =	shalt  }
0x3f: {  	_ =	shalt  }
0x40: {  	_ =	shalt  }
0x41: {  	_ =	shalt  }
0x42: {  	_ =	shalt  }
0x43: {  	_ =	shalt  }
0x44: {  	_ =	shalt  }
0x45: {  	_ =	shalt  }
0x46: {  	_ =	shalt  }
0x47: {  	_ =	shalt  }
0x48: {  	_ =	shalt  }
0x49: {  	_ =	shalt  }
0x4a: {  	_ =	shalt  }
0x4b: {  	_ =	shalt  }
0x4c: {  	_ =	shalt  }
0x4d: {  	_ =	shalt  }
0x4e: {  	_ =	shalt  }
0x4f: {  	_ =	shalt  }
0x50: {  	_ =	shalt  }
0x51: {  	_ =	shalt  }
0x52: {  	_ =	shalt  }
0x53: {  	_ =	shalt  }
0x54: {  	_ =	shalt  }
0x55: {  	_ =	shalt  }
0x56: {  	_ =	shalt  }
0x57: {  	_ =	shalt  }
0x58: {  	_ =	shalt  }
0x59: {  	_ =	shalt  }
0x5a: {  	_ =	shalt  }
0x5b: {  	_ =	shalt  }
0x5c: {  	_ =	shalt  }
0x5d: {  	_ =	shalt  }
0x5e: {  	_ =	shalt  }
0x5f: {  	_ =	shalt  }
0x60: {  	_ =	shalt  }
0x61: {  	_ =	shalt  }
0x62: {  	_ =	shalt  }
0x63: {  	_ =	shalt  }
0x64: {  	_ =	shalt  }
0x65: {  	_ =	shalt  }
0x66: {  	_ =	shalt  }
0x67: {  	_ =	shalt  }
0x68: {  	_ =	shalt  }
0x69: {  	_ =	shalt  }
0x6a: {  	_ =	shalt  }
0x6b: {  	_ =	shalt  }
0x6c: {  	_ =	shalt  }
0x6d: {  	_ =	shalt  }
0x6e: {  	_ =	shalt  }
0x6f: {  	_ =	shalt  }
0x70: {  	_ =	shalt  }
0x71: {  	_ =	shalt  }
0x72: {  	_ =	shalt  }
0x73: {  	_ =	shalt  }
0x74: {  	_ =	shalt  }
0x75: {  	_ =	shalt  }
0x76: {  	_ =	shalt  }
0x77: {  	_ =	shalt  }
0x78: {  	_ =	shalt  }
0x79: {  	_ =	shalt  }
0x7a: {  	_ =	shalt  }
0x7b: {  	_ =	shalt  }
0x7c: {  	_ =	shalt  }
0x7d: {  	_ =	shalt  }
0x7e: {  	_ =	shalt  }
0x7f: {  	_ =	shalt  }
0x80: {  	_ =	shalt  }
0x81: {  	_ =	shalt  }
0x82: {  	_ =	shalt  }
0x83: {  	_ =	shalt  }
0x84: {  	_ =	shalt  }
0x85: {  	_ =	shalt  }
0x86: {  	_ =	shalt  }
0x87: {  	_ =	shalt  }
.Lfunc_end0:
.L_simem_size_0:
called_computation.1_lowered:
.L_overlay_start_0:
0x88: {  	s2 =	sld [smem:$0x3FD9]  }
0x89: {  	s3 =	sld [smem:$0x3FFE];
	_ =	sdelay $0x1  }
0x8a: {  	s1 =	srdreg.scid  }
0x8b: {  	s0 =	sand.u32 $0x1, s1  }
0x8c: {  	s17 =	sshll.u32 s0, $0xA;
	s2 =	sadd.s32 s3, s2  }
0x8d: {  	s2 =	sadd.s32 s2, s17  }
0x8e: {  	[smem:$0x3FB9] =	sst s2  }
0x8f: {  	_ = 	snop  }
0x90: {  	(tm) =	ssettm $0x1  }
0x91: {  	s18 =	sld [smem:$0x3FFB];
	_ =	sdelay $0x3  }
0x92: {  	_ =	strace s18  }
0x93: {  	s2 =	sld [smem:$0x3FFC];
	_ =	sdelay $0x3  }
0x94: {  	_ =	strace s2  }
0x95: {  	s2 =	sld [smem:$0x3FFD];
	_ =	sdelay $0x3  }
0x96: {  	_ =	strace s2  }
0x97: {  	_ =	strace $0x8FFFFFFF  }
0x98: {  	s19 =	sld [smem:$0x3FDB];
	_ =	sdelay $0x1  }
0x99: {  	s20 =	simm.s32 $_scs_section_size  }
0x9a: {  	s4 =	simm.s32 $_size__tile_overlayer_lowered;
	s5 =	simm.s32 $_tile_overlayer_lowered  }
0x9b: {  	s6 =	simm.s32 $0x1BFF;
	s21 =	sshll.u32 s5, $0x1;
	s3 =	sadd.s32 s20, s19  }
0x9c: {  	s22 =	simm.s32 $0x0;
	s4 =	sshll.u32 s4, $0x1;
	s5 =	sadd.s32 s21, s3  }
0x9d: {  	[timem:s22], [sflag:s6] =	dma.local [hbm:s5], s4  }
0x9e: {  	_ =	swait.ge [sflag:s6], s4  }
0x9f: {  	s4 =	ssub.s32 $0x0, s4;
	[sflag:s6] =	ssyncset.done $0x0  }
0xa0: {  	[sflag:s6] =	ssyncadd.s32 s4;
	_ =	sdelay $0x1  }
0xa1: {  	s23 =	simm.s32 $0x1B8B  }
0xa2: {  	_ =	swait.ge [sflag:s23], $0x1  }
0xa3: {  	[sflag:s23] =	ssyncset.done $0x0  }
0xa4: {  	[sflag:s23] =	ssyncadd.s32 $0xFFFFFFFF  }
0xa5: {  	s4 =	sld [smem:$0x0]  }
0xa6: {  	s5 =	sand.u32 $0xFFFFFFFE, s1  }
0xa7: {  	p0 =	sne.s32 s1, s5  }
0xa8: {  	s5 =	sshll.u32 @p0 s5, $0xE  }
0xa9: {  	s5 =	sadd.s32 @p0 $0x11B8D, s5;
	s6 =	sshll.u32 @p0 s4, $0x11  }
0xaa: {  	s5 =	sor.u32 @p0 s6, s5  }
0xab: {  	[sflag:s5] =	ssyncadd.remote.s32 @p0 $0x1;
	_ =	sdelay $0x1  }
0xac: {  	s5 =	simm.s32 @p0 $0x1B8D  }
0xad: {  	_ =	swait.eq @p0 [sflag:s5], $0x1  }
0xae: {  	[sflag:s5] =	ssyncadd.s32 @p0 $0xFFFFFFFF  }
0xaf: {  	s6 =	sshll.u32 @!p0 s1, $0xE  }
0xb0: {  	s6 =	sor.u32 @!p0 $0x4000, s6;
	s5 =	simm.s32 @!p0 $0x1B8D  }
0xb1: {  	s4 =	sshll.u32 @!p0 s4, $0x11;
	s6 =	sadd.s32 @!p0 $0x11B8D, s6;
	_ =	swait.eq @!p0 [sflag:s5], $0x1  }
0xb2: {  	s4 =	sor.u32 @!p0 s4, s6;
	[sflag:s5] =	ssyncadd.s32 @!p0 $0xFFFFFFFF  }
0xb3: {  	s25 =	simm.s32 $0x1B8E;
	s24 =	sld [smem:$0x3FFE];
	[sflag:s4] =	ssyncadd.remote.s32 @!p0 $0x1  }
0xb4: {  	s26 =	simm.s32 $execute0_lowered;
	[smem:$0x3FD2] =	sst s25  }
0xb5: {  	s5 =	sshll.u32 s26, $0x1;
	_ =	strace $0x80000049;
	[dreg:$0x1] =	wrdreg $0xFFFFFFFF  }
0xb6: {  	s28 =	simm.s32 $_size_execute0_lowered;
	s3 =	sadd.s32 s3, s5;
	[dreg:$0x0] =	wrdreg $0x0  }
0xb7: {  	s5 =	sshll.u32 s28, $0x1;
	[dreg:$0x2] =	wrdreg s3  }
0xb8: {  	[dreg:$0x3] =	wrdreg s5  }
0xb9: {  	[dreg:$0x4] =	wrdreg $0xC0  }
0xba: {  	_ =	task [dreg:s22], $0x5FFFF  }
0xbb: {  	[dreg:$0x1] =	wrdreg $0xFFFFFFFF  }
0xbc: {  	[dreg:$0x0] =	wrdreg $0x60  }
0xbd: {  	[dreg:$0x2] =	wrdreg s24  }
0xbe: {  	[dreg:$0x3] =	wrdreg $0xA  }
0xbf: {  	_ =	task.clear_ibuf [dreg:s22], $0x4FFFF;
	_ =	strace $0x90000049  }
0xc0: {  	s29 =	simm.s32 $0xA;
	_ =	strace $0x8000004B  }
0xc1: {  	_ =	swait.ge [sflag:s29], $0x1  }
0xc2: {  	[sflag:s29] =	ssyncadd.s32 $0xFFFFFFFF  }
0xc3: {  	_ =	strace $0x9000004B  }
0xc4: {  	_ =	sfence  }
0xc5: {  	s30 =	sld [smem:$0x0];
	_ =	sdelay $0x2  }
0xc6: {  	s31 =	sshll.u32 s1, $0xD;
	s1 =	sshrl.u32 s1, $0x2  }
0xc7: {  	s4 =	sand.u32 $0x4000, s31;
	s1 =	sadd.s32 s1, s30  }
0xc8: {  	s0 =	sor.u32 s4, s0;
	s1 =	sshll.u32 s1, $0x11  }
0xc9: {  	s0 =	sor.u32 s1, s0  }
0xca: {  	s0 =	sadd.s32 $0x8F2B, s0  }
0xcb: {  	[sflag:s0] =	ssyncadd.remote.s32 $0x1  }
0xcc: {  	_ =	sfence.sel $0xFFFF  }
0xcd: {  	[dreg:$0x0] =	wrdreg $0xFFFFFFFF;
	(pc) =	sbr.abs _section_cstart, $3  }
0xce: {  	[dreg:$0x1] =	wrdreg $0xFFFFFFFF  }
0xcf: {  	_ =	task.clear_ibuf [dreg:s22], $0x2FFFF;
	_ =	strace $0x9FFFFFFF  }
0xd0: {  	(tm) =	ssettm $0x7FFFFFFF  }
0xd1: {  	_ =	shalt  }
tec
execute0_lowered:
.L_overlay_start_1:
0x0: {  	(tag) =	ssettag $0x1  }
0x1: {  	s1 =	srdreg.scid;
	s6 =	rddreg [dreg:$0x0];
	s2 =	simm.s32 $0x0  }
0x2: {  	s0 =	stileid.u32;
	[smem:$0x7FF] =	sst s2;
	s5 =	sadd.s32 $0x48C00, s6  }
0x3: {  	s15 =	simm.s32 $0x80;
	_ =	strace $0x8000004A;
	[dreg:$0x2] =	wrdreg s5  }
0x4: {  	s16 =	simm.s32 $0x180;
	s17 =	simm.s32 $0xA00;
	[dreg:$0x7] =	wrdreg s15  }
0x5: {  	s18 =	simm.s32 $0x1200;
	s19 =	simm.s32 $0x1A00;
	[dreg:$0x8] =	wrdreg s16  }
0x6: {  	s20 =	simm.s32 $0x2200;
	s22 =	simm.s32 $0x2A00;
	[dreg:$0x9] =	wrdreg s17  }
0x7: {  	s23 =	simm.s32 $0x3200;
	s7 =	simm.s32 $0x3A00;
	[dreg:$0xa] =	wrdreg s18  }
0x8: {  	s24 =	simm.s32 $0x4200;
	s8 =	simm.s32 $0x4A00;
	[dreg:$0xb] =	wrdreg s19  }
0x9: {  	s25 =	simm.s32 $0x5200;
	s26 =	simm.s32 $0x5A00;
	[dreg:$0xc] =	wrdreg s20  }
0xa: {  	s9 =	simm.s32 $0x100;
	s10 =	simm.s32 $0x200;
	[dreg:$0xd] =	wrdreg s22  }
0xb: {  	s12 =	simm.s32 $0x6A00;
	s28 =	simm.s32 $0xE200;
	[dreg:$0xe] =	wrdreg s23  }
0xc: {  	s29 =	simm.s32 $0xEA00;
	s30 =	simm.s32 $0xF200;
	[dreg:$0xf] =	wrdreg s7  }
0xd: {  	s31 =	simm.s32 $0xFA00;
	s1 =	sand.u32 $0x1, s1;
	[dreg:$0x10] =	wrdreg s24  }
0xe: {  	s3 =	sshll.u32 s0, $0x7;
	s4 =	sshll.u32 s1, $0x6;
	[dreg:$0x11] =	wrdreg s8  }
0xf: {  	s1 =	ssub.s32 $0x2, s1;
	s5 =	sadd.s32 $0x49400, s6;
	[dreg:$0x12] =	wrdreg s25  }
0x10: {  	s8 =	simm.s32 $0x2;
	[dreg:$0x13] =	wrdreg s26;
	s15 =	simm.s32 $0x8200  }
0x11: {  	s16 =	simm.s32 $0x8A00;
	s17 =	simm.s32 $0x9200;
	s18 =	simm.s32 $0x9A00  }
0x12: {  	s19 =	simm.s32 $0xA200;
	s20 =	simm.s32 $0xAA00;
	s22 =	simm.s32 $0xBA00  }
0x13: {  	s23 =	simm.s32 $0xC200;
	s24 =	simm.s32 $0xCA00;
	s3 =	sor.u32 s4, s3  }
0x14: {  	s25 =	simm.s32 $0xD200;
	s26 =	simm.s32 $0xDA00;
	s4 =	sshrl.u32 s3, $0x3  }
0x15: {  	s21 =	sshrl.u32 s1, $0x1;
	s3 =	sshll.u32 s3, $0x7;
	s4 =	sadd.s32 s4, s6  }
0x16: {  	s1 =	ssub.s32 s1, s21;
	s21 =	simm.s32 $0xB200;
	s13 =	sadd.s32 $0x40600, s4  }
0x17: {  	s3 =	sadd.s32 s3, s6;
	s14 =	sadd.s32 $0x40800, s4;
	[dreg:$0x3] =	wrdreg s13  }
0x18: {  	s7 =	smax.u32 s1, $0x1;
	s4 =	sadd.s32 $0x189200, s4;
	[dreg:$0x4] =	wrdreg s14  }
0x19: {  	v2 =	vlaneseq.u32;
	s1 =	simm.s32 $0x1;
	s3 =	sadd.s32 $0x600, s3;
	[dreg:$0x5] =	wrdreg s4  }
0x1a: {  	vm0 =	vmmov $0xffff;
	v1 =	vshrl.u32 v2, $0x3;
	[dreg:$0x6] =	wrdreg s3;
	s3 =	sadd.s32 $0x49200, s6;
	s4 =	sadd.s32 $0x49300, s6  }
0x1b: {  	v0 =	vand.u32 $0x7, v2;
	v2 =	vor.u32 $0x8, v2;
	v1 =	vmul.u32 $0x8, v1;
	s6 =	sadd.s32 $0x49500, s6;
	s13 =	simm.s32 $0x7200;
	s14 =	simm.s32 $0x7A00  }
.LBB2_1:
0x1c: {  	s0 =	rddreg [dreg:$0x3]  }
0x1d: {  	[tilespmem:s2], [sflag:$0x2] =	stream.linear.gather [hbm4b:s0+s2], $0x40, $0x38;
	[tilespmem:$0x10200] =	vst v63  }
0x1e: {  	_ =	swait.ge [sflag:s8], $0x40  }
0x1f: {  	s0 =	rddreg [dreg:$0x4];
	[sflag:s8] =	ssyncset.done $0x0  }
0x20: {  	s11 =	rddreg [dreg:$0x7];
	[sflag:s8] =	ssyncadd.s32 $0xFFFFFFC0  }
0x21: {  	[tilespmem:s11], [sflag:$0x2] =	stream.linear.gather [hbm4b:s0+s2], $0x40, $0x38;
	[tilespmem:$0x10200] =	vst v63  }
0x22: {  	_ =	swait.ge [sflag:s8], $0x40  }
0x23: {  	[sflag:s8] =	ssyncset.done $0x0  }
0x24: {  	s11 =	rddreg [dreg:$0x2];
	[sflag:s8] =	ssyncadd.s32 $0xFFFFFFC0  }
0x25: {  	[tilespmem:s9], [sflag:$0x2] =	stream.linear.gather [hbm4b:s11+s2], $0x80, $0x38;
	[tilespmem:$0x10200] =	vst v63  }
0x26: {  	_ =	swait.ge [sflag:s8], $0x80  }
0x27: {  	[sflag:s8] =	ssyncset.done $0x0  }
0x28: {  	[sflag:s8] =	ssyncadd.s32 $0xFFFFFF80  }
0x29: {  	v3 =	vld [tilespmem:$0x0];
	_ =	sdelay $0x5  }
0x2a: {  	v4 =	vld [tilespmem:$0x10]  }
0x2b: {  	v5 =	vld [tilespmem:$0x80]  }
0x2c: {  	v3 =	vld.idx.msk [tilespmem:v3+s9+$0x0], $0xffff;
	_ =	sdelay $0x4  }
0x2d: {  	v55 =	vld [tilespmem:$0x20];
	v3 =	vadd.s32 v3, v5  }
0x2e: {  	v56 =	vld [tilespmem:$0x90];
	[tilespmem:$0x180] =	vst v3  }
0x2f: {  	v3 =	vld.idx.msk [tilespmem:v4+s9+$0x0], $0xffff;
	_ =	sdelay $0x4  }
0x30: {  	v57 =	vld [tilespmem:$0x30];
	v3 =	vadd.s32 v3, v56  }
0x31: {  	v58 =	vld [tilespmem:$0xA0];
	[tilespmem:$0x190] =	vst v3  }
0x32: {  	v3 =	vld.idx.msk [tilespmem:v55+s9+$0x0], $0xffff;
	_ =	sdelay $0x4  }
0x33: {  	v3 =	vadd.s32 v3, v58  }
0x34: {  	v59 =	vld [tilespmem:$0xB0];
	[tilespmem:$0x1A0] =	vst v3  }
0x35: {  	v3 =	vld.idx.msk [tilespmem:v57+s9+$0x0], $0xffff;
	_ =	sdelay $0x4  }
0x36: {  	s0 =	rddreg [dreg:$0x5];
	v3 =	vadd.s32 v3, v59  }
0x37: {  	s11 =	rddreg [dreg:$0x8];
	[tilespmem:$0x1B0] =	vst v3  }
0x38: {  	[hbm4b:s0+s2] =	stream.linear.scatter [tilespmem:s11], [sflag:$0x2], $0x40, $0x38;
	[tilespmem:$0x10200] =	vst v63  }
0x39: {  	_ =	swait.ge [sflag:s8], $0x40  }
0x3a: {  	[sflag:s8] =	ssyncset.done $0x0  }
0x3b: {  	s11 =	rddreg [dreg:$0x6];
	[sflag:s8] =	ssyncadd.s32 $0xFFFFFFC0  }
0x3c: {  	[tilespmem:s10], [sflag:$0x2] =	stream.linear.gather [hbm4b:s11+s2], $0x10000, $0x38;
	[tilespmem:$0x10200] =	vst v63  }
0x3d: {  	_ =	swait.ge [sflag:s8], $0x10000  }
0x3e: {  	[sflag:s8] =	ssyncset.done $0x0  }
0x3f: {  	[sflag:s8] =	ssyncadd.s32 $0xFFFF0000  }
0x40: {  	v3 =	vld [tilespmem:$0x180];
	_ =	sdelay $0x4  }
0x41: {  	v60 =	vshll.u32 v3, $0x3  }
0x42: {  	v3 =	vand.u32 $0x7, v3;
	v4 =	vand.u32 $0xFFFFFFC0, v60  }
0x43: {  	v3 =	vor.u32 v3, v4  }
0x44: {  	v4 =	vperm.xlane v3, v0;
	_ =	sdelay $0x1  }
0x45: {  	v4 =	vadd.s32 v1, v4;
	_ =	sdelay $0x4  }
0x46: {  	[hbm4b:s3+s2] =	stream.indirect_vreg.scatter [tilespmem:s10], [sflag:$0x1], $0x80, v4, vm0, $0xb8;
	[tilespmem:$0x10200] =	vst v63  }
0x47: {  	s0 =	rddreg [dreg:$0x9];
	v3 =	vperm.xlane v3, v2  }
0x48: {  	[hbm4b:s4+s2] =	stream.indirect_vreg.scatter [tilespmem:s0], [sflag:$0x1], $0x80, v4, vm0, $0xb8;
	[tilespmem:$0x10200] =	vst v63  }
0x49: {  	s11 =	rddreg [dreg:$0xa];
	v3 =	vadd.s32 v1, v3  }
0x4a: {  	[hbm4b:s5+s2] =	stream.indirect_vreg.scatter [tilespmem:s11], [sflag:$0x1], $0x80, v4, vm0, $0xb8;
	[tilespmem:$0x10200] =	vst v63  }
0x4b: {  	s0 =	rddreg [dreg:$0xb]  }
0x4c: {  	[hbm4b:s6+s2] =	stream.indirect_vreg.scatter [tilespmem:s0], [sflag:$0x1], $0x80, v4, vm0, $0xb8;
	[tilespmem:$0x10200] =	vst v63  }
0x4d: {  	s11 =	rddreg [dreg:$0xc]  }
0x4e: {  	[hbm4b:s3+s2] =	stream.indirect_vreg.scatter [tilespmem:s11], [sflag:$0x1], $0x80, v3, vm0, $0xb8;
	[tilespmem:$0x10200] =	vst v63  }
0x4f: {  	s0 =	rddreg [dreg:$0xd]  }
0x50: {  	[hbm4b:s4+s2] =	stream.indirect_vreg.scatter [tilespmem:s0], [sflag:$0x1], $0x80, v3, vm0, $0xb8;
	[tilespmem:$0x10200] =	vst v63  }
0x51: {  	s11 =	rddreg [dreg:$0xe]  }
0x52: {  	[hbm4b:s5+s2] =	stream.indirect_vreg.scatter [tilespmem:s11], [sflag:$0x1], $0x80, v3, vm0, $0xb8;
	[tilespmem:$0x10200] =	vst v63  }
0x53: {  	s0 =	rddreg [dreg:$0xf]  }
0x54: {  	[hbm4b:s6+s2] =	stream.indirect_vreg.scatter [tilespmem:s0], [sflag:$0x1], $0x80, v3, vm0, $0xb8;
	[tilespmem:$0x10200] =	vst v63  }
0x55: {  	v3 =	vld [tilespmem:$0x190];
	_ =	sdelay $0x4  }
0x56: {  	v61 =	vshll.u32 v3, $0x3  }
0x57: {  	v3 =	vand.u32 $0x7, v3;
	v4 =	vand.u32 $0xFFFFFFC0, v61  }
0x58: {  	v3 =	vor.u32 v3, v4  }
0x59: {  	v4 =	vperm.xlane v3, v0;
	_ =	sdelay $0x1  }
0x5a: {  	v4 =	vadd.s32 v1, v4;
	_ =	sdelay $0x3  }
0x5b: {  	s0 =	rddreg [dreg:$0x10]  }
0x5c: {  	[hbm4b:s3+s2] =	stream.indirect_vreg.scatter [tilespmem:s0], [sflag:$0x1], $0x80, v4, vm0, $0xb8;
	[tilespmem:$0x10200] =	vst v63  }
0x5d: {  	s11 =	rddreg [dreg:$0x11];
	v3 =	vperm.xlane v3, v2  }
0x5e: {  	[hbm4b:s4+s2] =	stream.indirect_vreg.scatter [tilespmem:s11], [sflag:$0x1], $0x80, v4, vm0, $0xb8;
	[tilespmem:$0x10200] =	vst v63  }
0x5f: {  	v3 =	vadd.s32 v1, v3;
	s0 =	rddreg [dreg:$0x12]  }
0x60: {  	[hbm4b:s5+s2] =	stream.indirect_vreg.scatter [tilespmem:s0], [sflag:$0x1], $0x80, v4, vm0, $0xb8;
	[tilespmem:$0x10200] =	vst v63  }
0x61: {  	s11 =	rddreg [dreg:$0x13]  }
0x62: {  	[hbm4b:s6+s2] =	stream.indirect_vreg.scatter [tilespmem:s11], [sflag:$0x1], $0x80, v4, vm0, $0xb8;
	[tilespmem:$0x10200] =	vst v63  }
0x63: {  	s11 =	simm.s32 $0x6200  }
0x64: {  	[hbm4b:s3+s2] =	stream.indirect_vreg.scatter [tilespmem:s11], [sflag:$0x1], $0x80, v3, vm0, $0xb8;
	[tilespmem:$0x10200] =	vst v63  }
0x65: {  	_ = 	snop  }
0x66: {  	[hbm4b:s4+s2] =	stream.indirect_vreg.scatter [tilespmem:s12], [sflag:$0x1], $0x80, v3, vm0, $0xb8;
	[tilespmem:$0x10200] =	vst v63  }
0x67: {  	_ = 	snop  }
0x68: {  	[hbm4b:s5+s2] =	stream.indirect_vreg.scatter [tilespmem:s13], [sflag:$0x1], $0x80, v3, vm0, $0xb8;
	[tilespmem:$0x10200] =	vst v63  }
0x69: {  	_ = 	snop  }
0x6a: {  	[hbm4b:s6+s2] =	stream.indirect_vreg.scatter [tilespmem:s14], [sflag:$0x1], $0x80, v3, vm0, $0xb8;
	[tilespmem:$0x10200] =	vst v63  }
0x6b: {  	v3 =	vld [tilespmem:$0x1A0];
	_ =	sdelay $0x4  }
0x6c: {  	v62 =	vshll.u32 v3, $0x3  }
0x6d: {  	v3 =	vand.u32 $0x7, v3;
	v4 =	vand.u32 $0xFFFFFFC0, v62  }
0x6e: {  	v3 =	vor.u32 v3, v4  }
0x6f: {  	v4 =	vperm.xlane v3, v0;
	_ =	sdelay $0x1  }
0x70: {  	v4 =	vadd.s32 v1, v4;
	_ =	sdelay $0x4  }
0x71: {  	[hbm4b:s3+s2] =	stream.indirect_vreg.scatter [tilespmem:s15], [sflag:$0x1], $0x80, v4, vm0, $0xb8;
	[tilespmem:$0x10200] =	vst v63  }
0x72: {  	v3 =	vperm.xlane v3, v2  }
0x73: {  	[hbm4b:s4+s2] =	stream.indirect_vreg.scatter [tilespmem:s16], [sflag:$0x1], $0x80, v4, vm0, $0xb8;
	[tilespmem:$0x10200] =	vst v63  }
0x74: {  	v3 =	vadd.s32 v1, v3  }
0x75: {  	[hbm4b:s5+s2] =	stream.indirect_vreg.scatter [tilespmem:s17], [sflag:$0x1], $0x80, v4, vm0, $0xb8;
	[tilespmem:$0x10200] =	vst v63  }
0x76: {  	_ = 	snop  }
0x77: {  	[hbm4b:s6+s2] =	stream.indirect_vreg.scatter [tilespmem:s18], [sflag:$0x1], $0x80, v4, vm0, $0xb8;
	[tilespmem:$0x10200] =	vst v63  }
0x78: {  	_ = 	snop  }
0x79: {  	[hbm4b:s3+s2] =	stream.indirect_vreg.scatter [tilespmem:s19], [sflag:$0x1], $0x80, v3, vm0, $0xb8;
	[tilespmem:$0x10200] =	vst v63  }
0x7a: {  	_ = 	snop  }
0x7b: {  	[hbm4b:s4+s2] =	stream.indirect_vreg.scatter [tilespmem:s20], [sflag:$0x1], $0x80, v3, vm0, $0xb8;
	[tilespmem:$0x10200] =	vst v63  }
0x7c: {  	_ = 	snop  }
0x7d: {  	[hbm4b:s5+s2] =	stream.indirect_vreg.scatter [tilespmem:s21], [sflag:$0x1], $0x80, v3, vm0, $0xb8;
	[tilespmem:$0x10200] =	vst v63  }
0x7e: {  	_ = 	snop  }
0x7f: {  	[hbm4b:s6+s2] =	stream.indirect_vreg.scatter [tilespmem:s22], [sflag:$0x1], $0x80, v3, vm0, $0xb8;
	[tilespmem:$0x10200] =	vst v63  }
0x80: {  	v3 =	vld [tilespmem:$0x1B0];
	_ =	sdelay $0x4  }
0x81: {  	v63 =	vshll.u32 v3, $0x3  }
0x82: {  	v3 =	vand.u32 $0x7, v3;
	v4 =	vand.u32 $0xFFFFFFC0, v63  }
0x83: {  	v3 =	vor.u32 v3, v4  }
0x84: {  	v4 =	vperm.xlane v3, v0;
	_ =	sdelay $0x1  }
0x85: {  	v4 =	vadd.s32 v1, v4;
	_ =	sdelay $0x4  }
0x86: {  	[hbm4b:s3+s2] =	stream.indirect_vreg.scatter [tilespmem:s23], [sflag:$0x1], $0x80, v4, vm0, $0xb8;
	[tilespmem:$0x10200] =	vst v63  }
0x87: {  	v3 =	vperm.xlane v3, v2  }
0x88: {  	[hbm4b:s4+s2] =	stream.indirect_vreg.scatter [tilespmem:s24], [sflag:$0x1], $0x80, v4, vm0, $0xb8;
	[tilespmem:$0x10200] =	vst v63  }
0x89: {  	v3 =	vadd.s32 v1, v3  }
0x8a: {  	[hbm4b:s5+s2] =	stream.indirect_vreg.scatter [tilespmem:s25], [sflag:$0x1], $0x80, v4, vm0, $0xb8;
	[tilespmem:$0x10200] =	vst v63  }
0x8b: {  	_ = 	snop  }
0x8c: {  	[hbm4b:s6+s2] =	stream.indirect_vreg.scatter [tilespmem:s26], [sflag:$0x1], $0x80, v4, vm0, $0xb8;
	[tilespmem:$0x10200] =	vst v63  }
0x8d: {  	_ = 	snop  }
0x8e: {  	[hbm4b:s3+s2] =	stream.indirect_vreg.scatter [tilespmem:s28], [sflag:$0x1], $0x80, v3, vm0, $0xb8;
	[tilespmem:$0x10200] =	vst v63  }
0x8f: {  	_ = 	snop  }
0x90: {  	[hbm4b:s4+s2] =	stream.indirect_vreg.scatter [tilespmem:s29], [sflag:$0x1], $0x80, v3, vm0, $0xb8;
	[tilespmem:$0x10200] =	vst v63  }
0x91: {  	p0 =	sne.s32 s7, $0x1  }
0x92: {  	[hbm4b:s5+s2] =	stream.indirect_vreg.scatter [tilespmem:s30], [sflag:$0x1], $0x80, v3, vm0, $0xb8;
	[tilespmem:$0x10200] =	vst v63  }
.Ltmp0:
0x93: {  	_ = 	snop;
	(pc) =	sbr.rel @p0 .LBB2_1-.Ltmp0, $4  }
0x94: {  	[hbm4b:s6+s2] =	stream.indirect_vreg.scatter [tilespmem:s31], [sflag:$0x1], $0x80, v3, vm0, $0xb8;
	[tilespmem:$0x10200] =	vst v63  }
0x95: {  	_ =	swait.ge [sflag:s1], $0x10000  }
0x96: {  	[sflag:s1] =	ssyncset.done $0x0  }
0x97: {  	s7 =	sadd.s32 $0xFFFFFFFF, s7;
	[sflag:s1] =	ssyncadd.s32 $0xFFFF0000  }
0x98: {  	_ =	sfence.sel $0x180000  }
0x99: {  	[bflag:$0x0] =	sbarrier.arrive $0xFFFF  }
0x9a: {  	_ =	strace $0x9000004A  }
0x9b: {  	s0 =	stileid.u32;
	[bflag:$0x2] =	sbarrier.arrive $0xFFFF  }
0x9c: {  	p0 =	sne.s32 s0, $0x0;
	s0 =	rddreg [dreg:$0x1]  }
0x9d: {  	s0 =	sadd.s32 @!p0 $0x100000, s0  }
0x9e: {  	[sflag:s0] =	ssyncadd.tile.s32 @!p0 $0x1;
	_ =	shalt  }
.Lfunc_end2:
_tile_overlayer_lowered:
.L_overlay_start_2:
0x9f: {  	(tag) =	ssettag $0x2  }
0xa0: {  	s0 =	rddreg [dreg:$0x0];
	s2 =	stileid.u32  }
0xa1: {  	s1 =	rddreg [dreg:$0x1];
	p0 =	sne.s32 s2, $0x0  }
0xa2: {  	s3 =	rddreg [dreg:$0x2];
	[bflag:$0x3] =	sbarrier.arrive $0xFFFF;
	s2 =	simm.s32 @!p0 $0x1C02  }
0xa3: {  	[timem:s3], [sflag:s2] =	dma.local @!p0 [hbm:s0], s1  }
0xa4: {  	s0 =	simm.s32 @!p0 $0x2  }
0xa5: {  	_ =	swait.ge @!p0 [sflag:s0], s1  }
0xa6: {  	s1 =	ssub.s32 @!p0 $0x0, s1;
	[sflag:s0] =	ssyncset.done @!p0 $0x0  }
0xa7: {  	[sflag:s0] =	ssyncadd.s32 @!p0 s1  }
0xa8: {  	[bflag:$0x3] =	sbarrier.arrive $0xFFFF  }
0xa9: {  	_ =	shalt  }

// kernel: scatter_offload_async_start
scs
__scs_entry_jumppad:
0x0: {  	(pc) =	sbr.rel $0x88, $3  }
0x1: {  	(tag) =	ssettag $0x0;
	lr =	simm.s32 $0x1  }
0x2: {  	[smem:$0x3F92] =	sst lr;
	_ =	strace $0xD0000000  }
0x3: {  	_ = 	snop  }
0x4: {  	_ = 	snop  }
0x5: {  	_ = 	snop  }
0x6: {  	_ = 	snop  }
0x7: {  	_ = 	snop  }
__scs_overlays_trampoline_lowered:
0x8: {  	[smem:$0x3FA1] =	sst s0  }
0x9: {  	[smem:$0x3FA2] =	sst s1  }
0xa: {  	[smem:$0x3FA3] =	sst s2  }
0xb: {  	[smem:$0x3FA4] =	sst s3  }
0xc: {  	[smem:$0x3FA5] =	sst s4  }
0xd: {  	[smem:$0x3FA6] =	sst s5  }
0xe: {  	[smem:$0x3FA7] =	sst s6  }
0xf: {  	[smem:$0x3FA8] =	sst s7  }
0x10: {  	[smem:$0x3FA9] =	sst s8  }
0x11: {  	[smem:$0x3FAA] =	sst s9;
	s0 =	simm.s32 @!p0 $0x0  }
0x12: {  	s1 =	sld [smem:$0x3F90];
	s0 =	simm.s32 @p0 $0x1  }
0x13: {  	[smem:$0x3FAB] =	sst s0;
	s0 =	simm.s32 @!p1 $0x0  }
0x14: {  	s2 =	sld [smem:$0x3F8F];
	s0 =	simm.s32 @p1 $0x1  }
0x15: {  	[smem:$0x3FAC] =	sst s0;
	s0 =	simm.s32 @!p2 $0x0  }
0x16: {  	s3 =	sld [smem:$0x3FDB];
	s0 =	simm.s32 @p2 $0x1  }
0x17: {  	s4 =	simm.s32 $0x1BF5;
	[smem:$0x3FAE] =	sst s0  }
0x18: {  	s0 =	sld [smem:$0x3F91];
	_ =	swait.ge [sflag:s4], $0x0  }
0x19: {  	s7 =	sld [smem:$0x3F92]  }
0x1a: {  	s8 =	sadd.s32 $0xFFFFE003, lr  }
0x1b: {  	s9 =	sadd.s32 $0xFFFFFEF7, lr;
	s5 =	simm.s32 $0xFFFFFFFF;
	p2 =	slt.u32 s8, $0xFFFFF086  }
0x1c: {  	p1 =	slt.u32 s9, $0xF7A;
	s5 =	simm.s32 @!p2 $0x0  }
0x1d: {  	s5 =	simm.s32 @p1 $0x1;
	p0 =	seq.s32 s7, s2  }
0x1e: {  	s7 =	smul.u32 @!p0 $0xF7A, s2;
	p2 =	seq.s32 @!p0 s5, $0x0  }
0x1f: {  	s9 =	smul.u32 $0xF7A, s1;
	s8 =	simm.s32 @!p0 $0x1BF5;
	p2 =	por !p2, p0  }
0x20: {  	[sflag:s8] =	ssyncset.s32 @!p0 $0xFFFFF086;
	s6 =	sadd.s32 @!p0 s3, s7;
	s7 =	simm.s32 @!p0 $0x108  }
0x21: {  	s3 =	sadd.s32 s3, s9;
	s6 =	sadd.s32 @!p0 $0x88, s6;
	s7 =	simm.s32 @p2 $0x1082  }
0x22: {  	[simem:s7], [sflag:s8] =	dma.local @!p0 [hbm:s6], $0xF7A  }
0x23: {  	s9 =	sor.u32 $0xD0000000, s2;
	s6 =	simm.s32 $0x108;
	_ =	swait.ge @!p0 [sflag:s8], $0x0  }
0x24: {  	s3 =	sadd.s32 $0x88, s3;
	s6 =	simm.s32 @!p1 $0x1082;
	[sflag:s4] =	ssyncset.s32 $0xFFFFF086  }
0x25: {  	[simem:s6], [sflag:s4] =	dma.local [hbm:s3], $0xF7A  }
0x26: {  	[smem:$0x3F92] =	sst s1;
	(tag) =	ssettag s2;
	_ =	strace s9  }
0x27: {  	s1 =	sld [smem:$0x3FA2]  }
0x28: {  	s2 =	sld [smem:$0x3FA3]  }
0x29: {  	s4 =	sld [smem:$0x3FA5]  }
0x2a: {  	p0 =	seq.s32 s5, $0x0;
	s5 =	sld [smem:$0x3FA6]  }
0x2b: {  	s6 =	sld [smem:$0x3FA7]  }
0x2c: {  	s7 =	sld [smem:$0x3FA8]  }
0x2d: {  	s3 =	simm.s32 $0x108;
	s8 =	sld [smem:$0x3FA9]  }
0x2e: {  	s3 =	simm.s32 @!p0 $0x1082;
	s9 =	sld [smem:$0x3FAA]  }
0x2f: {  	lr =	sadd.s32 s0, s3;
	s0 =	sld [smem:$0x3FA1]  }
0x30: {  	s3 =	sld [smem:$0x3FA4]  }
0x31: {  	[smem:$0x3FAD] =	sst s10  }
0x32: {  	s10 =	sld [smem:$0x3FAB];
	_ =	sdelay $0x3  }
0x33: {  	p0 =	seq.s32 s10, $0x1;
	s10 =	sld [smem:$0x3FAD];
	_ =	sdelay $0x3  }
0x34: {  	[smem:$0x3FAD] =	sst s10  }
0x35: {  	s10 =	sld [smem:$0x3FAC];
	_ =	sdelay $0x3  }
0x36: {  	p1 =	seq.s32 s10, $0x1;
	s10 =	sld [smem:$0x3FAD];
	_ =	sdelay $0x3  }
0x37: {  	[smem:$0x3FAD] =	sst s10  }
0x38: {  	s10 =	sld [smem:$0x3FAE]  }
0x39: {  	_ = 	snop;
	(pc) =	sbr.ind lr, $3  }
0x3a: {  	_ = 	snop  }
0x3b: {  	_ = 	snop  }
0x3c: {  	p2 =	seq.s32 s10, $0x1;
	s10 =	sld [smem:$0x3FAD]  }
0x3d: {  	_ =	shalt  }
0x3e: {  	_ =	shalt  }
0x3f: {  	_ =	shalt  }
0x40: {  	_ =	shalt  }
0x41: {  	_ =	shalt  }
0x42: {  	_ =	shalt  }
0x43: {  	_ =	shalt  }
0x44: {  	_ =	shalt  }
0x45: {  	_ =	shalt  }
0x46: {  	_ =	shalt  }
0x47: {  	_ =	shalt  }
0x48: {  	_ =	shalt  }
0x49: {  	_ =	shalt  }
0x4a: {  	_ =	shalt  }
0x4b: {  	_ =	shalt  }
0x4c: {  	_ =	shalt  }
0x4d: {  	_ =	shalt  }
0x4e: {  	_ =	shalt  }
0x4f: {  	_ =	shalt  }
0x50: {  	_ =	shalt  }
0x51: {  	_ =	shalt  }
0x52: {  	_ =	shalt  }
0x53: {  	_ =	shalt  }
0x54: {  	_ =	shalt  }
0x55: {  	_ =	shalt  }
0x56: {  	_ =	shalt  }
0x57: {  	_ =	shalt  }
0x58: {  	_ =	shalt  }
0x59: {  	_ =	shalt  }
0x5a: {  	_ =	shalt  }
0x5b: {  	_ =	shalt  }
0x5c: {  	_ =	shalt  }
0x5d: {  	_ =	shalt  }
0x5e: {  	_ =	shalt  }
0x5f: {  	_ =	shalt  }
0x60: {  	_ =	shalt  }
0x61: {  	_ =	shalt  }
0x62: {  	_ =	shalt  }
0x63: {  	_ =	shalt  }
0x64: {  	_ =	shalt  }
0x65: {  	_ =	shalt  }
0x66: {  	_ =	shalt  }
0x67: {  	_ =	shalt  }
0x68: {  	_ =	shalt  }
0x69: {  	_ =	shalt  }
0x6a: {  	_ =	shalt  }
0x6b: {  	_ =	shalt  }
0x6c: {  	_ =	shalt  }
0x6d: {  	_ =	shalt  }
0x6e: {  	_ =	shalt  }
0x6f: {  	_ =	shalt  }
0x70: {  	_ =	shalt  }
0x71: {  	_ =	shalt  }
0x72: {  	_ =	shalt  }
0x73: {  	_ =	shalt  }
0x74: {  	_ =	shalt  }
0x75: {  	_ =	shalt  }
0x76: {  	_ =	shalt  }
0x77: {  	_ =	shalt  }
0x78: {  	_ =	shalt  }
0x79: {  	_ =	shalt  }
0x7a: {  	_ =	shalt  }
0x7b: {  	_ =	shalt  }
0x7c: {  	_ =	shalt  }
0x7d: {  	_ =	shalt  }
0x7e: {  	_ =	shalt  }
0x7f: {  	_ =	shalt  }
0x80: {  	_ =	shalt  }
0x81: {  	_ =	shalt  }
0x82: {  	_ =	shalt  }
0x83: {  	_ =	shalt  }
0x84: {  	_ =	shalt  }
0x85: {  	_ =	shalt  }
0x86: {  	_ =	shalt  }
0x87: {  	_ =	shalt  }
.Lfunc_end0:
.L_simem_size_0:
called_computation_lowered:
.L_overlay_start_0:
0x88: {  	s0 =	sld [smem:$0x3FD9]  }
0x89: {  	s1 =	sld [smem:$0x3FFE];
	_ =	sdelay $0x3  }
0x8a: {  	s0 =	sadd.s32 s1, s0  }
0x8b: {  	[smem:$0x3FB9] =	sst s0  }
0x8c: {  	_ = 	snop  }
0x8d: {  	(tm) =	ssettm $0x1  }
0x8e: {  	s15 =	sld [smem:$0x3FFB];
	_ =	sdelay $0x3  }
0x8f: {  	_ =	strace s15  }
0x90: {  	s0 =	sld [smem:$0x3FFC];
	_ =	sdelay $0x3  }
0x91: {  	_ =	strace s0  }
0x92: {  	s0 =	sld [smem:$0x3FFD];
	_ =	sdelay $0x3  }
0x93: {  	_ =	strace s0  }
0x94: {  	_ =	strace $0x8FFFFFFF  }
0x95: {  	s16 =	sld [smem:$0x3FDB];
	_ =	sdelay $0x1  }
0x96: {  	s17 =	simm.s32 $_scs_section_size  }
0x97: {  	s2 =	simm.s32 $_size__tile_overlayer_lowered;
	s3 =	simm.s32 $_tile_overlayer_lowered  }
0x98: {  	s20 =	simm.s32 $0x1BFF;
	s19 =	sshll.u32 s3, $0x1;
	s0 =	sadd.s32 s17, s16  }
0x99: {  	s4 =	simm.s32 $0x0;
	s18 =	sshll.u32 s2, $0x1;
	s2 =	sadd.s32 s19, s0  }
0x9a: {  	[timem:s4], [sflag:s20] =	dma.local [hbm:s2], s18  }
0x9b: {  	_ =	swait.ge [sflag:s20], s18  }
0x9c: {  	s1 =	ssub.s32 $0x0, s18;
	[sflag:s20] =	ssyncset.done $0x0  }
0x9d: {  	[sflag:s20] =	ssyncadd.s32 s1;
	_ =	sdelay $0x1  }
0x9e: {  	s21 =	simm.s32 $0x1B8B  }
0x9f: {  	_ =	swait.ge [sflag:s21], $0x1  }
0xa0: {  	[sflag:s21] =	ssyncset.done $0x0  }
0xa1: {  	s23 =	simm.s32 $0x1B8E;
	s22 =	sld [smem:$0x3FFE];
	[sflag:s21] =	ssyncadd.s32 $0xFFFFFFFF  }
0xa2: {  	s24 =	simm.s32 $execute0_lowered;
	[smem:$0x3FD2] =	sst s23  }
0xa3: {  	s2 =	sshll.u32 s24, $0x1;
	_ =	strace $0x80000046;
	[dreg:$0x1] =	wrdreg $0xFFFFFFFF  }
0xa4: {  	s25 =	simm.s32 $_size_execute0_lowered;
	s0 =	sadd.s32 s0, s2;
	[dreg:$0x0] =	wrdreg $0x0  }
0xa5: {  	s2 =	sshll.u32 s25, $0x1;
	[dreg:$0x2] =	wrdreg s0  }
0xa6: {  	[dreg:$0x3] =	wrdreg s2  }
0xa7: {  	[dreg:$0x4] =	wrdreg $0xC0  }
0xa8: {  	_ =	task [dreg:s4], $0x5FFFF  }
0xa9: {  	[dreg:$0x1] =	wrdreg $0xFFFFFFFF  }
0xaa: {  	[dreg:$0x0] =	wrdreg $0x60  }
0xab: {  	[dreg:$0x2] =	wrdreg s22  }
0xac: {  	[dreg:$0x3] =	wrdreg $0x9  }
0xad: {  	_ =	task.clear_ibuf [dreg:s4], $0x4FFFF;
	_ =	strace $0x90000046  }
0xae: {  	s26 =	simm.s32 $0x9;
	_ =	strace $0x80000048  }
0xaf: {  	_ =	swait.ge [sflag:s26], $0x1  }
0xb0: {  	[sflag:s26] =	ssyncadd.s32 $0xFFFFFFFF  }
0xb1: {  	_ =	strace $0x90000048  }
0xb2: {  	_ =	sfence  }
0xb3: {  	s28 =	sld [smem:$0x0];
	_ =	sdelay $0x1  }
0xb4: {  	s29 =	srdreg.scid  }
0xb5: {  	s30 =	sshll.u32 s29, $0xD;
	s31 =	sshrl.u32 s29, $0x2  }
0xb6: {  	s1 =	sand.u32 $0x1, s29;
	s2 =	sand.u32 $0x4000, s30;
	s0 =	sadd.s32 s31, s28  }
0xb7: {  	s1 =	sor.u32 s2, s1;
	s0 =	sshll.u32 s0, $0x11  }
0xb8: {  	s0 =	sor.u32 s0, s1  }
0xb9: {  	s0 =	sadd.s32 $0x8F2B, s0  }
0xba: {  	[sflag:s0] =	ssyncadd.remote.s32 $0x1  }
0xbb: {  	_ =	sfence.sel $0xFFFF  }
0xbc: {  	[dreg:$0x0] =	wrdreg $0xFFFFFFFF;
	(pc) =	sbr.abs _section_cstart, $3  }
0xbd: {  	[dreg:$0x1] =	wrdreg $0xFFFFFFFF  }
0xbe: {  	_ =	task.clear_ibuf [dreg:s4], $0x2FFFF;
	_ =	strace $0x9FFFFFFF  }
0xbf: {  	(tm) =	ssettm $0x7FFFFFFF  }
tec
execute0_lowered:
.L_overlay_start_1:
0x0: {  	(tag) =	ssettag $0x1  }
0x1: {  	s4 =	rddreg [dreg:$0x0]  }
0x2: {  	s0 =	rddreg [dreg:$0x1];
	_ =	strace $0x80000047;
	s3 =	stileid.u32  }
0x3: {  	s6 =	simm.s32 $0x3E;
	s1 =	sadd.s32 $0x49000, s4;
	p0 =	sne.s32 s3, $0x0  }
0x4: {  	[sflag:s6] =	ssyncpa.u1 $0x0;
	s31 =	smin.u32 s3, $0x4;
	p1 =	slt.u32 s3, $0x4  }
0x5: {  	s3 =	simm.s32 $0x10;
	s5 =	simm.s32 @!p0 $0x1C3E;
	s2 =	simm.s32 @!p0 $0x0  }
0x6: {  	[spmem:s2], [sflag:s5] =	dma.local @!p0 [hbm:s1], $0x10  }
0x7: {  	s3 =	simm.s32 @!p1 $0x0;
	s5 =	sshll.u32 s31, $0x4  }
0x8: {  	s3 =	sadd.s32 s3, s5  }
0x9: {  	s9 =	smin.u32 s3, $0x40  }
0xa: {  	s8 =	ssub.s32 s9, s5  }
0xb: {  	p1 =	sgt.s32 s8, $0x0  }
0xc: {  	s7 =	simm.s32 @!p0 $0x3E;
	s8 =	simm.s32 @!p1 $0x0  }
0xd: {  	_ =	swait.ge @!p0 [sflag:s7], $0x10;
	s10 =	sshrl.u32 s8, $0x4  }
0xe: {  	[sflag:s7] =	ssyncset.done @!p0 $0x0;
	s11 =	sadd.s32 $0x1, s10  }
0xf: {  	p3 =	por $0x0, $0x0;
	[sflag:s7] =	ssyncadd.s32 @!p0 $0xFFFFFFF0;
	p1 =	sne.s32 s11, $0x1  }
.Ltmp0:
0x10: {  	s3 =	simm.s32 $0x1;
	[bflag:$0x0] =	sbarrier.arrive $0xFFFF;
	(pc) =	sbr.rel @!p1 .LBB2_1-.Ltmp0, $4  }
0x11: {  	s7 =	sadd.s32 $0x48A00, s4;
	[sflag:s6] =	ssyncpa.u1 $0x1;
	s6 =	sadd.s32 $0x48E00, s4  }
0x12: {  	s4 =	simm.s32 $0x2;
	s8 =	simm.s32 $0x0;
	p2 =	sle.u32 s10, $0x0  }
0x13: {  	[sflag:s3] =	ssyncpa.u1 $0x0;
	(ifvalue) =	ssetifvalue $0x80;
	s12 =	sxor.u32 @!p2 $0xFFFFFFFF, s8  }
0x14: {  	[sflag:s4] =	ssyncpa.u1 $0x0;
	s15 =	sshrl.u32 @!p2 s5, $0x3;
	s16 =	sand.u32 @!p2 $0x10, s12  }
0x15: {  	s12 =	sadd.s32 @!p2 s7, s15  }
0x16: {  	s13 =	sor.u32 @!p2 $0x8, s16;
	s14 =	sand.u32 @!p2 $0x7, s5;
	p1 =	por $0x1, $0x1  }
0x17: {  	[tilespmem:s13], [sflag:$0x2] =	stream.linear.gather @!p2 [hbm4b:s12+s14], $0x10, $0x38;
	[tilespmem:$0x48] =	vst v63  }
0x18: {  	s15 =	sadd.s32 @!p2 s6, s15;
	s12 =	sor.u32 @!p2 $0x28, s16;
	s13 =	simm.s32 @!p1 $0x2  }
0x19: {  	[tilespmem:s12], [sflag:$0x2] =	stream.linear.gather @!p2 [hbm4b:s15+s14], $0x10, $0x38;
	[tilespmem:$0x48] =	vst v63  }
0x1a: {  	_ =	swait.ge @!p1 [sflag:s13], $0x20  }
0x1b: {  	s8 =	sand.u32 @!p1 $0x10, s8;
	[sflag:s13] =	ssyncset.done @!p1 $0x0  }
0x1c: {  	s12 =	sor.u32 @!p1 $0x8, s8;
	[sflag:s13] =	ssyncadd.s32 @!p1 $0xFFFFFFE0  }
0x1d: {  	v0 =	vld.msk @!p1 [tilespmem:s12+$0x0 ss:$0x1], $0xffff;
	_ =	sdelay $0x3  }
0x1e: {  	p4 =	sne.s32 s11, $0x2  }
.Ltmp1:
0x1f: {  	s18 =	simm.s32 @!p1 $0x0;
	s17 =	simm.s32 @!p1 $0x1;
	v0 =	vmin.u32 @!p1 v0, $0x80;
	(pc) =	sbr.rel @!p4 .LBB2_3-.Ltmp1, $4  }
0x20: {  	s15 =	sadd.s32 $0x10, s5;
	p2 =	sle.u32 s10, $0x1;
	s14 =	smov.u32 s5  }
0x21: {  	p3 =	slt.s32 s15, s9;
	s13 =	sor.u32 @!p1 $0x28, s8;
	s8 =	simm.s32 $0x10  }
0x22: {  	s14 =	smov.u32 @p3 s15;
	p3 =	por $0x1, $0x1;
	s16 =	sxor.u32 @!p2 $0xFFFFFFFF, s8  }
0x23: {  	vm0 =	vmmov @!p1 $0xffff;
	s15 =	sshrl.u32 @!p2 s14, $0x3;
	s12 =	simm.s32 $0x2;
	s16 =	sand.u32 @!p2 $0x10, s16  }
.LBB2_4:
0x24: {  	[spmem:s18] =	stream.indirect_vreg.scatter.add.s32 @!p1 [tilespmem:s13], [sflag:$0x1], $0x1, v0, vm0, $0x4038;
	[tilespmem:$0x48] =	vst v63  }
0x25: {  	s13 =	sadd.s32 @!p2 s7, s15;
	s18 =	sor.u32 @!p2 $0x8, s16;
	_ =	swait.ge @!p1 [sflag:s17], $0x10  }
0x26: {  	s19 =	smov.u32 s12;
	s12 =	sadd.s32 $0x1, s12;
	[sflag:s17] =	ssyncset.done @!p1 $0x0  }
0x27: {  	s20 =	sand.u32 @!p2 $0x7, s14;
	[sflag:s17] =	ssyncadd.s32 @!p1 $0xFFFFFFF0;
	p1 =	seq.s32 s8, $0x0  }
0x28: {  	[tilespmem:s18], [sflag:$0x2] =	stream.linear.gather @!p2 [hbm4b:s13+s20], $0x10, $0x38;
	[tilespmem:$0x48] =	vst v63  }
0x29: {  	s16 =	sor.u32 @!p2 $0x28, s16;
	s17 =	simm.s32 @!p1 $0x2;
	s13 =	sand.u32 @!p1 $0x10, s8  }
0x2a: {  	s15 =	sadd.s32 @!p2 s6, s15;
	s18 =	sor.u32 @!p1 $0x8, s13;
	s13 =	sor.u32 @!p1 $0x28, s13  }
0x2b: {  	[tilespmem:s16], [sflag:$0x2] =	stream.linear.gather @!p2 [hbm4b:s15+s20], $0x10, $0x38;
	[tilespmem:$0x48] =	vst v63  }
0x2c: {  	p4 =	sne.s32 s11, s12;
	_ =	swait.ge @!p1 [sflag:s17], $0x20  }
0x2d: {  	[sflag:s17] =	ssyncset.done @!p1 $0x0  }
0x2e: {  	[sflag:s17] =	ssyncadd.s32 @!p1 $0xFFFFFFE0  }
0x2f: {  	v0 =	vld.msk @!p1 [tilespmem:s18+$0x0 ss:$0x1], $0xffff;
	_ =	sdelay $0x5  }
.Ltmp2:
0x30: {  	s8 =	sadd.s32 $0x10, s8;
	v0 =	vmin.u32 @!p1 v0, $0x80;
	(pc) =	sbr.rel @p4 .LBB2_4-.Ltmp2, $4  }
0x31: {  	vm0 =	vmmov @!p1 $0xffff;
	s15 =	sadd.s32 $0x10, s14;
	p2 =	sge.u32 s19, s10;
	s18 =	simm.s32 @!p1 $0x0  }
0x32: {  	s14 =	smov.u32 s5;
	p5 =	slt.s32 s15, s9;
	s17 =	simm.s32 @!p1 $0x1  }
0x33: {  	s16 =	sxor.u32 @!p2 $0xFFFFFFFF, s8;
	s14 =	smov.u32 @p5 s15  }
0x34: {  	s16 =	sand.u32 @!p2 $0x10, s16;
	s15 =	sshrl.u32 @!p2 s14, $0x3  }
0x35: {  	s5 =	smov.u32 s14  }
.LBB2_6:
0x36: {  	_ =	sdelay $0x2  }
0x37: {  	p3 =	por p1, !p3  }
0x38: {  	[spmem:s18] =	stream.indirect_vreg.scatter.add.s32 @!p3 [tilespmem:s13], [sflag:$0x1], $0x1, v0, vm0, $0x4038;
	[tilespmem:$0x48] =	vst v63  }
0x39: {  	_ =	swait.ge @!p3 [sflag:s17], $0x10  }
0x3a: {  	s7 =	sadd.s32 @!p2 s7, s15;
	s9 =	sor.u32 @!p2 $0x8, s16;
	[sflag:s17] =	ssyncset.done @!p3 $0x0  }
0x3b: {  	s5 =	sand.u32 @!p2 $0x7, s5;
	p1 =	seq.s32 s8, $0x0;
	[sflag:s17] =	ssyncadd.s32 @!p3 $0xFFFFFFF0  }
0x3c: {  	[tilespmem:s9], [sflag:$0x2] =	stream.linear.gather @!p2 [hbm4b:s7+s5], $0x10, $0x38;
	[tilespmem:$0x48] =	vst v63  }
0x3d: {  	s6 =	sadd.s32 @!p2 s6, s15;
	s7 =	sor.u32 @!p2 $0x28, s16;
	s9 =	simm.s32 @!p1 $0x2  }
0x3e: {  	[tilespmem:s7], [sflag:$0x2] =	stream.linear.gather @!p2 [hbm4b:s6+s5], $0x10, $0x38;
	[tilespmem:$0x48] =	vst v63  }
0x3f: {  	_ =	swait.ge @!p1 [sflag:s9], $0x20  }
0x40: {  	s5 =	sand.u32 @!p1 $0x10, s8;
	[sflag:s9] =	ssyncset.done @!p1 $0x0  }
0x41: {  	s6 =	sor.u32 @!p1 $0x8, s5;
	[sflag:s9] =	ssyncadd.s32 @!p1 $0xFFFFFFE0  }
0x42: {  	v0 =	vld.msk @!p1 [tilespmem:s6+$0x0 ss:$0x1], $0xffff;
	_ =	sdelay $0x4  }
0x43: {  	v0 =	vmin.u32 @!p1 v0, $0x80;
	_ =	sdelay $0x3  }
0x44: {  	vm0 =	vmmov @!p1 $0xffff;
	s7 =	simm.s32 @!p1 $0x1;
	s5 =	sor.u32 @!p1 $0x28, s5;
	s6 =	simm.s32 @!p1 $0x0  }
0x45: {  	[spmem:s6] =	stream.indirect_vreg.scatter.add.s32 @!p1 [tilespmem:s5], [sflag:$0x1], $0x1, v0, vm0, $0x4038;
	[tilespmem:$0x48] =	vst v63  }
0x46: {  	_ =	swait.ge @!p1 [sflag:s7], $0x10  }
0x47: {  	[sflag:s7] =	ssyncset.done @!p1 $0x0  }
0x48: {  	[sflag:s7] =	ssyncadd.s32 @!p1 $0xFFFFFFF0  }
0x49: {  	_ =	sfence.sel $0x180000  }
0x4a: {  	[bflag:$0x0] =	sbarrier.arrive $0xFFFF  }
0x4b: {  	[sflag:s4] =	ssyncpa.u1 $0x1  }
0x4c: {  	[sflag:s3] =	ssyncpa.u1 $0x1  }
0x4d: {  	_ =	sfence.stream.spmem  }
0x4e: {  	s31 =	simm.s32 $0x3D;
	[bflag:$0x0] =	sbarrier.arrive $0xFFFF  }
0x4f: {  	s3 =	simm.s32 @p0 $0x3D;
	[sflag:s31] =	ssyncpa.u1 $0x0  }
0x50: {  	[sflag:s3] =	ssyncpa.u1 @p0 $0x1  }
0x51: {  	[bflag:$0x0] =	sbarrier.arrive @p0 $0xFFFF  }
0x52: {  	_ =	strace @p0 $0x90000047  }
0x53: {  	s3 =	simm.s32 @!p0 $0x1C3D;
	[bflag:$0x2] =	sbarrier.arrive @p0 $0xFFFF  }
0x54: {  	[hbm:s1], [sflag:s3] =	dma.local @!p0 [spmem:s2], $0x10  }
0x55: {  	s1 =	simm.s32 @!p0 $0x3D  }
0x56: {  	_ =	swait.ge @!p0 [sflag:s1], $0x10  }
0x57: {  	[sflag:s1] =	ssyncset.done @!p0 $0x0  }
0x58: {  	[sflag:s1] =	ssyncadd.s32 @!p0 $0xFFFFFFF0  }
0x59: {  	[sflag:s1] =	ssyncpa.u1 @!p0 $0x1  }
0x5a: {  	[bflag:$0x0] =	sbarrier.arrive @!p0 $0xFFFF  }
0x5b: {  	_ =	strace @!p0 $0x90000047  }
0x5c: {  	s0 =	sadd.s32 @!p0 $0x100000, s0;
	[bflag:$0x2] =	sbarrier.arrive @!p0 $0xFFFF  }
0x5d: {  	[sflag:s0] =	ssyncadd.tile.s32 @!p0 $0x1;
	_ =	shalt  }
.LBB2_1:
.Ltmp3:
0x5e: {  	(pc) =	sbr.rel .LBB2_6-.Ltmp3, $2  }
0x5f: {  	_ =	sdelay $0x2  }
0x60: {  	_ = 	snop  }
.LBB2_3:
.Ltmp4:
0x61: {  	(pc) =	sbr.rel .LBB2_6-.Ltmp4, $2  }
0x62: {  	_ =	sdelay $0x2  }
0x63: {  	s5 =	smov.u32 s14  }
.Lfunc_end2:
_tile_overlayer_lowered:
.L_overlay_start_2:
0x64: {  	(tag) =	ssettag $0x2  }
0x65: {  	s0 =	rddreg [dreg:$0x0];
	s2 =	stileid.u32  }
0x66: {  	s1 =	rddreg [dreg:$0x1];
	p0 =	sne.s32 s2, $0x0  }
0x67: {  	s3 =	rddreg [dreg:$0x2];
	[bflag:$0x3] =	sbarrier.arrive $0xFFFF;
	s2 =	simm.s32 @!p0 $0x1C01  }
0x68: {  	[timem:s3], [sflag:s2] =	dma.local @!p0 [hbm:s0], s1  }
0x69: {  	s0 =	simm.s32 @!p0 $0x1  }
0x6a: {  	_ =	swait.ge @!p0 [sflag:s0], s1  }
0x6b: {  	s1 =	ssub.s32 @!p0 $0x0, s1;
	[sflag:s0] =	ssyncset.done @!p0 $0x0  }
0x6c: {  	[sflag:s0] =	ssyncadd.s32 @!p0 s1  }
0x6d: {  	[bflag:$0x3] =	sbarrier.arrive $0xFFFF  }
0x6e: {  	_ =	shalt  }

</sc_bundles>
